<compile_context>
chip_gen: v7x
topology: tpu7x:2x2x1
jax: 0.10.2.dev20260603
libtpu: 0.0.44.dev20260713+nightly
codegen_flags: <defaults>
</compile_context>

<pallas_src>
import jax
import jax.numpy as jnp
from jax import lax
from jax.experimental import pallas as pl
from jax.experimental.pallas import tpu as pltpu
from jax.experimental.pallas import tpu_sc as plsc

N_TOTAL = 2097152
K_MASK = 65536
NC = 2
NS = 16
LANES = 16
NW = NC * NS
SPLIT = N_TOTAL // 2
PER_W = (N_TOTAL - SPLIT) // NW
CHUNK = 16384
N_CHUNKS = PER_W // CHUNK
UNROLL = 16
INF_BITS = 0x7F800000
TCA_BLOCK = 131072
TCA_GRID = SPLIT // TCA_BLOCK


def _sc_body(dh_hbm, d_hbm, out_hbm,
             dh_a, d_a, dh_b, d_b, head_a, head_b, row_v,
             sem_dh_a, sem_d_a, sem_dh_b, sem_d_b):
    wid = lax.axis_index("s") * NC + lax.axis_index("c")
    base = SPLIT + wid * PER_W

    pltpu.sync_copy(dh_hbm.at[pl.ds(0, LANES)], head_a)
    pltpu.sync_copy(d_hbm.at[pl.ds(0, LANES)], head_b)
    diff0 = jnp.abs(head_a[...] - head_b[...])
    g_head = jnp.exp(-(diff0 * diff0))
    head_a[...] = g_head
    g0v = plsc.load_gather(head_a, [jnp.zeros((LANES,), jnp.int32)])

    def bis(_, lh):
        lo, hi = lh
        mid = lo + lax.div(hi - lo, 2)
        t = plsc.bitcast(mid, jnp.float32)
        pfalse = jnp.exp(-t) <= g0v
        return (jnp.where(pfalse, lo, mid + 1),
                jnp.where(pfalse, mid, hi))

    _, hi = lax.fori_loop(
        0, 32, bis,
        (jnp.zeros((LANES,), jnp.int32),
         jnp.full((LANES,), INF_BITS, jnp.int32)))
    tstar = plsc.bitcast(hi, jnp.float32)

    dh_bufs, d_bufs = (dh_a, dh_b), (d_a, d_b)
    dh_sems, d_sems = (sem_dh_a, sem_dh_b), (sem_d_a, sem_d_b)

    def start(c, b):
        off = base + c * CHUNK
        return (pltpu.async_copy(dh_hbm.at[pl.ds(off, CHUNK)],
                                 dh_bufs[b], dh_sems[b]),
                pltpu.async_copy(d_hbm.at[pl.ds(off, CHUNK)],
                                 d_bufs[b], d_sems[b]))

    acc = jnp.zeros((LANES,), jnp.int32)
    pend = start(0, 0)
    for c in range(N_CHUNKS):
        nxt = start(c + 1, (c + 1) % 2) if c + 1 < N_CHUNKS else None
        for h in pend:
            h.wait()
        dh_v, d_v = dh_bufs[c % 2], d_bufs[c % 2]

        def inner(i, a, dh_v=dh_v, d_v=d_v):
            s0 = i * (LANES * UNROLL)
            for u in range(UNROLL):
                s = s0 + u * LANES
                x = dh_v[pl.ds(s, LANES)] - d_v[pl.ds(s, LANES)]
                a = a + jnp.where(x * x < tstar, 1, 0).astype(jnp.int32)
            return a

        acc = lax.fori_loop(0, CHUNK // (LANES * UNROLL), inner, acc)
        pend = nxt
    row_v[...] = acc
    pltpu.sync_copy(row_v, out_hbm.at[wid])


_sc_count = pl.kernel(
    _sc_body,
    out_type=jax.ShapeDtypeStruct((NW, LANES), jnp.int32),
    mesh=plsc.VectorSubcoreMesh(
        core_axis_name="c", subcore_axis_name="s",
        num_cores=NC, num_subcores=NS),
    compiler_params=pltpu.CompilerParams(
        needs_layout_passes=False,
        disable_bounds_checks=True,
        disable_semaphore_checks=True,
        skip_device_barrier=True,
    ),
    scratch_types=[
        pltpu.VMEM((CHUNK,), jnp.float32),
        pltpu.VMEM((CHUNK,), jnp.float32),
        pltpu.VMEM((CHUNK,), jnp.float32),
        pltpu.VMEM((CHUNK,), jnp.float32),
        pltpu.VMEM((LANES,), jnp.float32),
        pltpu.VMEM((LANES,), jnp.float32),
        pltpu.VMEM((LANES,), jnp.int32),
        pltpu.SemaphoreType.DMA,
        pltpu.SemaphoreType.DMA,
        pltpu.SemaphoreType.DMA,
        pltpu.SemaphoreType.DMA,
    ],
)


def _tca_body(dh_ref, d_ref, nm_ref, out_ref, g0_smem):
    i = pl.program_id(0)

    @pl.when(i == 0)
    def _():
        head = (dh_ref[pl.ds(0, 128)] - d_ref[pl.ds(0, 128)]).reshape(1, 128)
        ahead = jnp.abs(head)
        ghead = jnp.exp(-(ahead * ahead))
        lane = lax.broadcasted_iota(jnp.int32, (1, 128), 1)
        g0_smem[0] = jnp.sum(jnp.where(lane == 0, ghead, 0.0))
        out_ref[0, 0] = 0
        out_ref[0, 1] = jnp.sum((nm_ref[...] != 0.0).astype(jnp.int32))

    g0 = g0_smem[0]
    x = (dh_ref[...] - d_ref[...]).reshape(TCA_BLOCK // 128, 128)
    ax = jnp.abs(x)
    g = jnp.exp(-(ax * ax))
    cnt = jnp.sum(jnp.where(g > g0, 1, 0).astype(jnp.int32))
    out_ref[0, 0] += cnt


_tc_count = pl.pallas_call(
    _tca_body,
    grid=(TCA_GRID,),
    out_shape=jax.ShapeDtypeStruct((1, 2), jnp.int32),
    in_specs=[
        pl.BlockSpec((TCA_BLOCK,), lambda i: (i,)),
        pl.BlockSpec((TCA_BLOCK,), lambda i: (i,)),
        pl.BlockSpec((K_MASK // 1024, 1024), lambda i: (0, 0)),
    ],
    out_specs=pl.BlockSpec(memory_space=pltpu.SMEM),
    scratch_shapes=[pltpu.SMEM((1,), jnp.float32)],
)


def _tc_body(part_ref, tca_ref, nm_ref, out_ref):
    p = jnp.sum(part_ref[...]) + tca_ref[0, 0]
    a_cnt = tca_ref[0, 1]
    nm = nm_ref[...]
    rows = lax.broadcasted_iota(jnp.int32, nm.shape, 0)
    cols = lax.broadcasted_iota(jnp.int32, nm.shape, 1)
    lin = rows * nm.shape[1] + cols
    hit = jnp.sum(jnp.where((lin == p) & (nm != 0.0), 1, 0))
    in_topk = p < K_MASK
    inter = jnp.where(in_topk, a_cnt - hit, a_cnt)
    union = jnp.where(in_topk, (K_MASK - 1) + hit, K_MASK)
    iou = inter.astype(jnp.float32) / union.astype(jnp.float32)
    val = jnp.log(jnp.full((8, 128), 1.0 / iou, jnp.float32))
    out_ref[0, 0] = val[0, 0]


_tc_final = pl.pallas_call(
    _tc_body,
    out_shape=jax.ShapeDtypeStruct((1, 1), jnp.float32),
    in_specs=[
        pl.BlockSpec(memory_space=pltpu.VMEM),
        pl.BlockSpec(memory_space=pltpu.SMEM),
        pl.BlockSpec(memory_space=pltpu.VMEM),
    ],
    out_specs=pl.BlockSpec(memory_space=pltpu.SMEM),
)


def kernel(net_mask, depth_hat, depth, k):
    partials = _sc_count(depth_hat, depth)
    nm2 = net_mask.reshape(K_MASK // 1024, 1024)
    tca = _tc_count(depth_hat, depth, nm2)
    out = _tc_final(partials, tca, nm2)
    return out[0, 0]

# --- scband reference (transcript-rebuilt; emitter-appended) ---
"""Pipeline reference for scband-lmrloss-3942779977843 (READ-ONLY COPY).

The authoritative reference and input builder live on the scoring server;
editing this copy changes nothing except your own understanding.
"""

import jax, jax.numpy as jnp
import numpy as np

N = 2097152
K = 65536

def setup_inputs(seed: int = 0) -> dict:
    key = jax.random.key(seed)
    k1, k2, k3 = jax.random.split(key, 3)
    net_mask = jax.random.uniform(k1, (K,), dtype=jnp.float32)
    depth_hat = jax.random.normal(k2, (N,), dtype=jnp.float32)
    depth = jax.random.normal(k3, (N,), dtype=jnp.float32)
    return {"net_mask": net_mask, "depth_hat": depth_hat, "depth": depth, "k": K}

def reference(net_mask, depth_hat, depth, k):
    # info_gain_loss
    diff = jnp.abs(depth_hat - depth)
    # gaussian_activation: e^(-x^2). (The torch source writes `-1 * x ^ 2`,
    # which is bitwise-XOR and would crash on float tensors; the documented
    # intent exp(-x**2) is implemented here.)
    gauss_pred = jnp.exp(-(diff ** 2))
    k_static = net_mask.shape[0]
    _, top_k_inds = jax.lax.top_k(gauss_pred, k_static)
    nm = net_mask.astype(bool)
    # torch: top_k_inds.to(torch.bool) -> True for every nonzero index
    pm = top_k_inds.astype(bool)
    # torch bool*bool = logical and; bool+bool = logical or
    inter = jnp.sum(jnp.logical_and(nm, pm))
    union = jnp.sum(jnp.logical_or(nm, pm))
    iou = inter / union
    return jnp.log(1.0 / iou) + 0.0 * jnp.asarray(k, dtype=jnp.float32)

if __name__ == "__main__":
    import jax
    _d = setup_inputs()
    print(jax.jit(kernel)(*tuple(_d.values())))

</pallas_src>

<mosaic_0001>
#map = affine_map<(d0, d1) -> (0)>
#map1 = affine_map<(d0, d1) -> (0, 0)>
module attributes {stable_mosaic.version = 14 : i64} {
  func.func @_sc_body(%arg0: i32, %arg1: i32, %arg2: memref<2097152xf32, #tpu.memory_space<hbm>>, %arg3: memref<2097152xf32, #tpu.memory_space<hbm>>, %arg4: memref<32x16xi32, #tpu.memory_space<hbm>>, %arg5: memref<16384xf32, #tpu.memory_space<vmem>>, %arg6: memref<16384xf32, #tpu.memory_space<vmem>>, %arg7: memref<16384xf32, #tpu.memory_space<vmem>>, %arg8: memref<16384xf32, #tpu.memory_space<vmem>>, %arg9: memref<16xf32, #tpu.memory_space<vmem>>, %arg10: memref<16xf32, #tpu.memory_space<vmem>>, %arg11: memref<16xi32, #tpu.memory_space<vmem>>, %arg12: memref<!tpu.dma_semaphore, #tpu.memory_space<semaphore_mem>>, %arg13: memref<!tpu.dma_semaphore, #tpu.memory_space<semaphore_mem>>, %arg14: memref<!tpu.dma_semaphore, #tpu.memory_space<semaphore_mem>>, %arg15: memref<!tpu.dma_semaphore, #tpu.memory_space<semaphore_mem>>) attributes {dimension_semantics = [#tpu.dimension_semantics<core_parallel>, #tpu.dimension_semantics<subcore_parallel>], iteration_bounds = array<i64: 2, 16>, scalar_prefetch = 0 : i64, scratch_operands = 11 : i64, tpu.core_type = #tpu.core_type<sc_vector_subcore>, window_params = [{transform_indices = #map}, {transform_indices = #map}, {transform_indices = #map1}]} {
    %mul3A = arith.constant 2 : i32
    %mul3A_0 = arith.muli %arg1, %mul3A : i32
    %add3A = arith.addi %mul3A_0, %arg0 : i32
    %mul3A_1 = arith.constant 32768 : i32
    %mul3A_2 = arith.muli %add3A, %mul3A_1 : i32
    %add3A_3 = arith.constant 1048576 : i32
    %add3A_4 = arith.addi %add3A_3, %mul3A_2 : i32
    "tpu.region"() ({
      %run_scoped3A = tpu.sem_alloc : memref<!tpu.dma_semaphore, #tpu.memory_space<semaphore_mem>>
      %dma_start3A_56 = arith.constant 0 : i32
      %dma_start3A_57 = tpu.memref_slice %arg2[%dma_start3A_56] : memref<2097152xf32, #tpu.memory_space<hbm>> -> memref<16xf32, #tpu.memory_space<hbm>>
      %dma_start3A_58 = arith.constant 0 : i32
      %dma_start3A_59 = tpu.memref_slice %arg2[%dma_start3A_58] : memref<2097152xf32, #tpu.memory_space<hbm>> -> memref<16xf32, #tpu.memory_space<hbm>>
      tpu.enqueue_dma source(%dma_start3A_59 : memref<16xf32, #tpu.memory_space<hbm>>) target(%arg9 : memref<16xf32, #tpu.memory_space<vmem>>) target_semaphore(%run_scoped3A : memref<!tpu.dma_semaphore, #tpu.memory_space<semaphore_mem>>)
      %dma_wait3A_60 = arith.constant 0 : i32
      %dma_wait3A_61 = tpu.memref_slice %arg2[%dma_wait3A_60] : memref<2097152xf32, #tpu.memory_space<hbm>> -> memref<16xf32, #tpu.memory_space<hbm>>
      %dma_wait3A_62 = arith.constant 0 : i32
      %dma_wait3A_63 = tpu.memref_slice %arg2[%dma_wait3A_62] : memref<2097152xf32, #tpu.memory_space<hbm>> -> memref<16xf32, #tpu.memory_space<hbm>>
      tpu.wait_dma2 semaphore(%run_scoped3A : memref<!tpu.dma_semaphore, #tpu.memory_space<semaphore_mem>>) src(%dma_wait3A_63 : memref<16xf32, #tpu.memory_space<hbm>>) dst(%arg9 : memref<16xf32, #tpu.memory_space<vmem>>)
      tpu.yield
    }) : () -> ()
    "tpu.region"() ({
      %run_scoped3A = tpu.sem_alloc : memref<!tpu.dma_semaphore, #tpu.memory_space<semaphore_mem>>
      %dma_start3A_56 = arith.constant 0 : i32
      %dma_start3A_57 = tpu.memref_slice %arg3[%dma_start3A_56] : memref<2097152xf32, #tpu.memory_space<hbm>> -> memref<16xf32, #tpu.memory_space<hbm>>
      %dma_start3A_58 = arith.constant 0 : i32
      %dma_start3A_59 = tpu.memref_slice %arg3[%dma_start3A_58] : memref<2097152xf32, #tpu.memory_space<hbm>> -> memref<16xf32, #tpu.memory_space<hbm>>
      tpu.enqueue_dma source(%dma_start3A_59 : memref<16xf32, #tpu.memory_space<hbm>>) target(%arg10 : memref<16xf32, #tpu.memory_space<vmem>>) target_semaphore(%run_scoped3A : memref<!tpu.dma_semaphore, #tpu.memory_space<semaphore_mem>>)
      %dma_wait3A_60 = arith.constant 0 : i32
      %dma_wait3A_61 = tpu.memref_slice %arg3[%dma_wait3A_60] : memref<2097152xf32, #tpu.memory_space<hbm>> -> memref<16xf32, #tpu.memory_space<hbm>>
      %dma_wait3A_62 = arith.constant 0 : i32
      %dma_wait3A_63 = tpu.memref_slice %arg3[%dma_wait3A_62] : memref<2097152xf32, #tpu.memory_space<hbm>> -> memref<16xf32, #tpu.memory_space<hbm>>
      tpu.wait_dma2 semaphore(%run_scoped3A : memref<!tpu.dma_semaphore, #tpu.memory_space<semaphore_mem>>) src(%dma_wait3A_63 : memref<16xf32, #tpu.memory_space<hbm>>) dst(%arg10 : memref<16xf32, #tpu.memory_space<vmem>>)
      tpu.yield
    }) : () -> ()
    %get3A = arith.constant 0 : index
    %get3A_5 = tpu.vector_load %arg9[%get3A] {strides = array<i32>} : memref<16xf32, #tpu.memory_space<vmem>>, vector<16xf32>,
    %get3A_6 = arith.constant 0 : index
    %get3A_7 = tpu.vector_load %arg10[%get3A_6] {strides = array<i32>} : memref<16xf32, #tpu.memory_space<vmem>>, vector<16xf32>,
    %sub3A = arith.subf %get3A_5, %get3A_7 : vector<16xf32>
    %abs3A = math.absf %sub3A : vector<16xf32>
    %mul3A_8 = arith.mulf %abs3A, %abs3A : vector<16xf32>
    %neg3A = arith.constant 0.000000e+00 : f32
    %neg3A_9 = vector.broadcast %neg3A : f32 to vector<16xf32>
    %neg3A_10 = arith.subf %neg3A_9, %mul3A_8 : vector<16xf32>
    %exp3A = math.exp %neg3A_10 : vector<16xf32>
    %swap3A = arith.constant 0 : index
    %swap3A_11 = tpu.vector_load %arg9[%swap3A] {strides = array<i32>} : memref<16xf32, #tpu.memory_space<vmem>>, vector<16xf32>,
    tpu.vector_store %arg9[%swap3A], %exp3A {strides = array<i32>} : memref<16xf32, #tpu.memory_space<vmem>>, vector<16xf32>,
    %broadcast_in_dim3A = arith.constant 0 : i32
    %broadcast_in_dim3A_12 = vector.broadcast %broadcast_in_dim3A : i32 to vector<16xi32>
    %gather3A = tpu.vector_load_idx %arg9[%broadcast_in_dim3A_12] : memref<16xf32, #tpu.memory_space<vmem>>[vector<16xi32>], vector<16xf32>,
    %broadcast_in_dim3A_13 = arith.constant 0 : i32
    %broadcast_in_dim3A_14 = vector.broadcast %broadcast_in_dim3A_13 : i32 to vector<16xi32>
    %broadcast_in_dim3A_15 = arith.constant 2139095040 : i32
    %broadcast_in_dim3A_16 = vector.broadcast %broadcast_in_dim3A_15 : i32 to vector<16xi32>
    %scan3A = arith.constant 0 : i32
    %scan3A_17 = arith.constant 32 : i32
    %scan3A_18 = arith.addi %scan3A, %scan3A_17 : i32
    %scan3A_19 = arith.constant 1 : i32
    %scan3A_20:2 = scf.for %scan3A_56 = %scan3A to %scan3A_18 step %scan3A_19 iter_args(%scan3A_57 = %broadcast_in_dim3A_14, %scan3A_58 = %broadcast_in_dim3A_16) -> (vector<16xi32>, vector<16xi32>)  : i32 {
      %sub3A_59 = arith.subi %scan3A_58, %scan3A_57 : vector<16xi32>
      %div3A = arith.constant 2 : i32
      %div3A_60 = vector.broadcast %div3A : i32 to vector<16xi32>
      %div3A_61 = arith.divsi %sub3A_59, %div3A_60 : vector<16xi32>
      %add3A_62 = arith.addi %scan3A_57, %div3A_61 : vector<16xi32>
      %bitcast3A_63 = vector.bitcast %add3A_62 : vector<16xi32> to vector<16xf32>
      %neg3A_64 = arith.constant 0.000000e+00 : f32
      %neg3A_65 = vector.broadcast %neg3A_64 : f32 to vector<16xf32>
      %neg3A_66 = arith.subf %neg3A_65, %bitcast3A_63 : vector<16xf32>
      %exp3A_67 = math.exp %neg3A_66 : vector<16xf32>
      %le3A = arith.cmpf ole, %exp3A_67, %gather3A : vector<16xf32>
      %add3A_68 = arith.constant 1 : i32
      %add3A_69 = vector.broadcast %add3A_68 : i32 to vector<16xi32>
      %add3A_70 = arith.addi %add3A_62, %add3A_69 : vector<16xi32>
      %select_n3A = arith.select %le3A, %scan3A_57, %add3A_70 : vector<16xi1>, vector<16xi32>
      %select_n3A_71 = arith.select %le3A, %add3A_62, %scan3A_58 : vector<16xi1>, vector<16xi32>
      scf.yield %select_n3A, %select_n3A_71 : vector<16xi32>, vector<16xi32>
    }
    %scan3A_21 = arith.constant 32 : i32
    %bitcast3A = vector.bitcast %scan3A_20#1 : vector<16xi32> to vector<16xf32>
    %broadcast_in_dim3A_22 = arith.constant 0 : i32
    %broadcast_in_dim3A_23 = vector.broadcast %broadcast_in_dim3A_22 : i32 to vector<16xi32>
    %add3A_24 = arith.constant 0 : i32
    %add3A_25 = arith.addi %add3A_4, %add3A_24 : i32
    %dma_start3A = tpu.memref_slice %arg2[%add3A_25] : memref<2097152xf32, #tpu.memory_space<hbm>> -> memref<16384xf32, #tpu.memory_space<hbm>>
    %dma_start3A_26 = tpu.memref_slice %arg2[%add3A_25] : memref<2097152xf32, #tpu.memory_space<hbm>> -> memref<16384xf32, #tpu.memory_space<hbm>>
    tpu.enqueue_dma source(%dma_start3A_26 : memref<16384xf32, #tpu.memory_space<hbm>>) target(%arg5 : memref<16384xf32, #tpu.memory_space<vmem>>) target_semaphore(%arg12 : memref<!tpu.dma_semaphore, #tpu.memory_space<semaphore_mem>>)
    %dma_start3A_27 = tpu.memref_slice %arg3[%add3A_25] : memref<2097152xf32, #tpu.memory_space<hbm>> -> memref<16384xf32, #tpu.memory_space<hbm>>
    %dma_start3A_28 = tpu.memref_slice %arg3[%add3A_25] : memref<2097152xf32, #tpu.memory_space<hbm>> -> memref<16384xf32, #tpu.memory_space<hbm>>
    tpu.enqueue_dma source(%dma_start3A_28 : memref<16384xf32, #tpu.memory_space<hbm>>) target(%arg6 : memref<16384xf32, #tpu.memory_space<vmem>>) target_semaphore(%arg13 : memref<!tpu.dma_semaphore, #tpu.memory_space<semaphore_mem>>)
    %add3A_29 = arith.constant 16384 : i32
    %add3A_30 = arith.addi %add3A_4, %add3A_29 : i32
    %dma_start3A_31 = tpu.memref_slice %arg2[%add3A_30] : memref<2097152xf32, #tpu.memory_space<hbm>> -> memref<16384xf32, #tpu.memory_space<hbm>>
    %dma_start3A_32 = tpu.memref_slice %arg2[%add3A_30] : memref<2097152xf32, #tpu.memory_space<hbm>> -> memref<16384xf32, #tpu.memory_space<hbm>>
    tpu.enqueue_dma source(%dma_start3A_32 : memref<16384xf32, #tpu.memory_space<hbm>>) target(%arg7 : memref<16384xf32, #tpu.memory_space<vmem>>) target_semaphore(%arg14 : memref<!tpu.dma_semaphore, #tpu.memory_space<semaphore_mem>>)
    %dma_start3A_33 = tpu.memref_slice %arg3[%add3A_30] : memref<2097152xf32, #tpu.memory_space<hbm>> -> memref<16384xf32, #tpu.memory_space<hbm>>
    %dma_start3A_34 = tpu.memref_slice %arg3[%add3A_30] : memref<2097152xf32, #tpu.memory_space<hbm>> -> memref<16384xf32, #tpu.memory_space<hbm>>
    tpu.enqueue_dma source(%dma_start3A_34 : memref<16384xf32, #tpu.memory_space<hbm>>) target(%arg8 : memref<16384xf32, #tpu.memory_space<vmem>>) target_semaphore(%arg15 : memref<!tpu.dma_semaphore, #tpu.memory_space<semaphore_mem>>)
    %dma_wait3A = tpu.memref_slice %arg2[%add3A_25] : memref<2097152xf32, #tpu.memory_space<hbm>> -> memref<16384xf32, #tpu.memory_space<hbm>>
    %dma_wait3A_35 = tpu.memref_slice %arg2[%add3A_25] : memref<2097152xf32, #tpu.memory_space<hbm>> -> memref<16384xf32, #tpu.memory_space<hbm>>
    tpu.wait_dma2 semaphore(%arg12 : memref<!tpu.dma_semaphore, #tpu.memory_space<semaphore_mem>>) src(%dma_wait3A_35 : memref<16384xf32, #tpu.memory_space<hbm>>) dst(%arg5 : memref<16384xf32, #tpu.memory_space<vmem>>)
    %dma_wait3A_36 = tpu.memref_slice %arg3[%add3A_25] : memref<2097152xf32, #tpu.memory_space<hbm>> -> memref<16384xf32, #tpu.memory_space<hbm>>
    %dma_wait3A_37 = tpu.memref_slice %arg3[%add3A_25] : memref<2097152xf32, #tpu.memory_space<hbm>> -> memref<16384xf32, #tpu.memory_space<hbm>>
    tpu.wait_dma2 semaphore(%arg13 : memref<!tpu.dma_semaphore, #tpu.memory_space<semaphore_mem>>) src(%dma_wait3A_37 : memref<16384xf32, #tpu.memory_space<hbm>>) dst(%arg6 : memref<16384xf32, #tpu.memory_space<vmem>>)
    %scan3A_38 = arith.constant 0 : i32
    %scan3A_39 = arith.constant 64 : i32
    %scan3A_40 = arith.addi %scan3A_38, %scan3A_39 : i32
    %scan3A_41 = arith.constant 1 : i32
    %scan3A_42 = scf.for %scan3A_56 = %scan3A_38 to %scan3A_40 step %scan3A_41 iter_args(%scan3A_57 = %broadcast_in_dim3A_23) -> (vector<16xi32>)  : i32 {
      %mul3A_58 = arith.constant 256 : i32
      %mul3A_59 = arith.muli %scan3A_56, %mul3A_58 : i32
      %add3A_60 = arith.constant 0 : i32
      %add3A_61 = arith.addi %mul3A_59, %add3A_60 : i32
      %get3A_62 = arith.index_cast %add3A_61 : i32 to index
      %get3A_63 = tpu.vector_load %arg5[%get3A_62] {strides = array<i32>} : memref<16384xf32, #tpu.memory_space<vmem>>, vector<16xf32>,
      %get3A_64 = arith.index_cast %add3A_61 : i32 to index
      %get3A_65 = tpu.vector_load %arg6[%get3A_64] {strides = array<i32>} : memref<16384xf32, #tpu.memory_space<vmem>>, vector<16xf32>,
      %sub3A_66 = arith.subf %get3A_63, %get3A_65 : vector<16xf32>
      %mul3A_67 = arith.mulf %sub3A_66, %sub3A_66 : vector<16xf32>
      %lt3A = arith.cmpf olt, %mul3A_67, %bitcast3A : vector<16xf32>
      %jit3A = arith.constant 1 : i32
      %jit3A_68 = arith.constant 0 : i32
      %broadcast_in_dim3A_69 = vector.broadcast %jit3A : i32 to vector<16xi32>
      %broadcast_in_dim3A_70 = vector.broadcast %jit3A_68 : i32 to vector<16xi32>
      %select_n3A = arith.select %lt3A, %broadcast_in_dim3A_69, %broadcast_in_dim3A_70 : vector<16xi1>, vector<16xi32>
      %add3A_71 = arith.addi %scan3A_57, %select_n3A : vector<16xi32>
      %add3A_72 = arith.constant 16 : i32
      %add3A_73 = arith.addi %mul3A_59, %add3A_72 : i32
      %get3A_74 = arith.index_cast %add3A_73 : i32 to index
      %get3A_75 = tpu.vector_load %arg5[%get3A_74] {strides = array<i32>} : memref<16384xf32, #tpu.memory_space<vmem>>, vector<16xf32>,
      %get3A_76 = arith.index_cast %add3A_73 : i32 to index
      %get3A_77 = tpu.vector_load %arg6[%get3A_76] {strides = array<i32>} : memref<16384xf32, #tpu.memory_space<vmem>>, vector<16xf32>,
      %sub3A_78 = arith.subf %get3A_75, %get3A_77 : vector<16xf32>
      %mul3A_79 = arith.mulf %sub3A_78, %sub3A_78 : vector<16xf32>
      %lt3A_80 = arith.cmpf olt, %mul3A_79, %bitcast3A : vector<16xf32>
      %jit3A_81 = arith.constant 1 : i32
      %jit3A_82 = arith.constant 0 : i32
      %broadcast_in_dim3A_83 = vector.broadcast %jit3A_81 : i32 to vector<16xi32>
      %broadcast_in_dim3A_84 = vector.broadcast %jit3A_82 : i32 to vector<16xi32>
      %select_n3A_85 = arith.select %lt3A_80, %broadcast_in_dim3A_83, %broadcast_in_dim3A_84 : vector<16xi1>, vector<16xi32>
      %add3A_86 = arith.addi %add3A_71, %select_n3A_85 : vector<16xi32>
      %add3A_87 = arith.constant 32 : i32
      %add3A_88 = arith.addi %mul3A_59, %add3A_87 : i32
      %get3A_89 = arith.index_cast %add3A_88 : i32 to index
      %get3A_90 = tpu.vector_load %arg5[%get3A_89] {strides = array<i32>} : memref<16384xf32, #tpu.memory_space<vmem>>, vector<16xf32>,
      %get3A_91 = arith.index_cast %add3A_88 : i32 to index
      %get3A_92 = tpu.vector_load %arg6[%get3A_91] {strides = array<i32>} : memref<16384xf32, #tpu.memory_space<vmem>>, vector<16xf32>,
      %sub3A_93 = arith.subf %get3A_90, %get3A_92 : vector<16xf32>
      %mul3A_94 = arith.mulf %sub3A_93, %sub3A_93 : vector<16xf32>
      %lt3A_95 = arith.cmpf olt, %mul3A_94, %bitcast3A : vector<16xf32>
      %jit3A_96 = arith.constant 1 : i32
      %jit3A_97 = arith.constant 0 : i32
      %broadcast_in_dim3A_98 = vector.broadcast %jit3A_96 : i32 to vector<16xi32>
      %broadcast_in_dim3A_99 = vector.broadcast %jit3A_97 : i32 to vector<16xi32>
      %select_n3A_100 = arith.select %lt3A_95, %broadcast_in_dim3A_98, %broadcast_in_dim3A_99 : vector<16xi1>, vector<16xi32>
      %add3A_101 = arith.addi %add3A_86, %select_n3A_100 : vector<16xi32>
      %add3A_102 = arith.constant 48 : i32
      %add3A_103 = arith.addi %mul3A_59, %add3A_102 : i32
      %get3A_104 = arith.index_cast %add3A_103 : i32 to index
      %get3A_105 = tpu.vector_load %arg5[%get3A_104] {strides = array<i32>} : memref<16384xf32, #tpu.memory_space<vmem>>, vector<16xf32>,
      %get3A_106 = arith.index_cast %add3A_103 : i32 to index
      %get3A_107 = tpu.vector_load %arg6[%get3A_106] {strides = array<i32>} : memref<16384xf32, #tpu.memory_space<vmem>>, vector<16xf32>,
      %sub3A_108 = arith.subf %get3A_105, %get3A_107 : vector<16xf32>
      %mul3A_109 = arith.mulf %sub3A_108, %sub3A_108 : vector<16xf32>
      %lt3A_110 = arith.cmpf olt, %mul3A_109, %bitcast3A : vector<16xf32>
      %jit3A_111 = arith.constant 1 : i32
      %jit3A_112 = arith.constant 0 : i32
      %broadcast_in_dim3A_113 = vector.broadcast %jit3A_111 : i32 to vector<16xi32>
      %broadcast_in_dim3A_114 = vector.broadcast %jit3A_112 : i32 to vector<16xi32>
      %select_n3A_115 = arith.select %lt3A_110, %broadcast_in_dim3A_113, %broadcast_in_dim3A_114 : vector<16xi1>, vector<16xi32>
      %add3A_116 = arith.addi %add3A_101, %select_n3A_115 : vector<16xi32>
      %add3A_117 = arith.constant 64 : i32
      %add3A_118 = arith.addi %mul3A_59, %add3A_117 : i32
      %get3A_119 = arith.index_cast %add3A_118 : i32 to index
      %get3A_120 = tpu.vector_load %arg5[%get3A_119] {strides = array<i32>} : memref<16384xf32, #tpu.memory_space<vmem>>, vector<16xf32>,
      %get3A_121 = arith.index_cast %add3A_118 : i32 to index
      %get3A_122 = tpu.vector_load %arg6[%get3A_121] {strides = array<i32>} : memref<16384xf32, #tpu.memory_space<vmem>>, vector<16xf32>,
      %sub3A_123 = arith.subf %get3A_120, %get3A_122 : vector<16xf32>
      %mul3A_124 = arith.mulf %sub3A_123, %sub3A_123 : vector<16xf32>
      %lt3A_125 = arith.cmpf olt, %mul3A_124, %bitcast3A : vector<16xf32>
      %jit3A_126 = arith.constant 1 : i32
      %jit3A_127 = arith.constant 0 : i32
      %broadcast_in_dim3A_128 = vector.broadcast %jit3A_126 : i32 to vector<16xi32>
      %broadcast_in_dim3A_129 = vector.broadcast %jit3A_127 : i32 to vector<16xi32>
      %select_n3A_130 = arith.select %lt3A_125, %broadcast_in_dim3A_128, %broadcast_in_dim3A_129 : vector<16xi1>, vector<16xi32>
      %add3A_131 = arith.addi %add3A_116, %select_n3A_130 : vector<16xi32>
      %add3A_132 = arith.constant 80 : i32
      %add3A_133 = arith.addi %mul3A_59, %add3A_132 : i32
      %get3A_134 = arith.index_cast %add3A_133 : i32 to index
      %get3A_135 = tpu.vector_load %arg5[%get3A_134] {strides = array<i32>} : memref<16384xf32, #tpu.memory_space<vmem>>, vector<16xf32>,
      %get3A_136 = arith.index_cast %add3A_133 : i32 to index
      %get3A_137 = tpu.vector_load %arg6[%get3A_136] {strides = array<i32>} : memref<16384xf32, #tpu.memory_space<vmem>>, vector<16xf32>,
      %sub3A_138 = arith.subf %get3A_135, %get3A_137 : vector<16xf32>
      %mul3A_139 = arith.mulf %sub3A_138, %sub3A_138 : vector<16xf32>
      %lt3A_140 = arith.cmpf olt, %mul3A_139, %bitcast3A : vector<16xf32>
      %jit3A_141 = arith.constant 1 : i32
      %jit3A_142 = arith.constant 0 : i32
      %broadcast_in_dim3A_143 = vector.broadcast %jit3A_141 : i32 to vector<16xi32>
      %broadcast_in_dim3A_144 = vector.broadcast %jit3A_142 : i32 to vector<16xi32>
      %select_n3A_145 = arith.select %lt3A_140, %broadcast_in_dim3A_143, %broadcast_in_dim3A_144 : vector<16xi1>, vector<16xi32>
      %add3A_146 = arith.addi %add3A_131, %select_n3A_145 : vector<16xi32>
      %add3A_147 = arith.constant 96 : i32
      %add3A_148 = arith.addi %mul3A_59, %add3A_147 : i32
      %get3A_149 = arith.index_cast %add3A_148 : i32 to index
      %get3A_150 = tpu.vector_load %arg5[%get3A_149] {strides = array<i32>} : memref<16384xf32, #tpu.memory_space<vmem>>, vector<16xf32>,
      %get3A_151 = arith.index_cast %add3A_148 : i32 to index
      %get3A_152 = tpu.vector_load %arg6[%get3A_151] {strides = array<i32>} : memref<16384xf32, #tpu.memory_space<vmem>>, vector<16xf32>,
      %sub3A_153 = arith.subf %get3A_150, %get3A_152 : vector<16xf32>
      %mul3A_154 = arith.mulf %sub3A_153, %sub3A_153 : vector<16xf32>
      %lt3A_155 = arith.cmpf olt, %mul3A_154, %bitcast3A : vector<16xf32>
      %jit3A_156 = arith.constant 1 : i32
      %jit3A_157 = arith.constant 0 : i32
      %broadcast_in_dim3A_158 = vector.broadcast %jit3A_156 : i32 to vector<16xi32>
      %broadcast_in_dim3A_159 = vector.broadcast %jit3A_157 : i32 to vector<16xi32>
      %select_n3A_160 = arith.select %lt3A_155, %broadcast_in_dim3A_158, %broadcast_in_dim3A_159 : vector<16xi1>, vector<16xi32>
      %add3A_161 = arith.addi %add3A_146, %select_n3A_160 : vector<16xi32>
      %add3A_162 = arith.constant 112 : i32
      %add3A_163 = arith.addi %mul3A_59, %add3A_162 : i32
      %get3A_164 = arith.index_cast %add3A_163 : i32 to index
      %get3A_165 = tpu.vector_load %arg5[%get3A_164] {strides = array<i32>} : memref<16384xf32, #tpu.memory_space<vmem>>, vector<16xf32>,
      %get3A_166 = arith.index_cast %add3A_163 : i32 to index
      %get3A_167 = tpu.vector_load %arg6[%get3A_166] {strides = array<i32>} : memref<16384xf32, #tpu.memory_space<vmem>>, vector<16xf32>,
      %sub3A_168 = arith.subf %get3A_165, %get3A_167 : vector<16xf32>
      %mul3A_169 = arith.mulf %sub3A_168, %sub3A_168 : vector<16xf32>
      %lt3A_170 = arith.cmpf olt, %mul3A_169, %bitcast3A : vector<16xf32>
      %jit3A_171 = arith.constant 1 : i32
      %jit3A_172 = arith.constant 0 : i32
      %broadcast_in_dim3A_173 = vector.broadcast %jit3A_171 : i32 to vector<16xi32>
      %broadcast_in_dim3A_174 = vector.broadcast %jit3A_172 : i32 to vector<16xi32>
      %select_n3A_175 = arith.select %lt3A_170, %broadcast_in_dim3A_173, %broadcast_in_dim3A_174 : vector<16xi1>, vector<16xi32>
      %add3A_176 = arith.addi %add3A_161, %select_n3A_175 : vector<16xi32>
      %add3A_177 = arith.constant 128 : i32
      %add3A_178 = arith.addi %mul3A_59, %add3A_177 : i32
      %get3A_179 = arith.index_cast %add3A_178 : i32 to index
      %get3A_180 = tpu.vector_load %arg5[%get3A_179] {strides = array<i32>} : memref<16384xf32, #tpu.memory_space<vmem>>, vector<16xf32>,
      %get3A_181 = arith.index_cast %add3A_178 : i32 to index
      %get3A_182 = tpu.vector_load %arg6[%get3A_181] {strides = array<i32>} : memref<16384xf32, #tpu.memory_space<vmem>>, vector<16xf32>,
      %sub3A_183 = arith.subf %get3A_180, %get3A_182 : vector<16xf32>
      %mul3A_184 = arith.mulf %sub3A_183, %sub3A_183 : vector<16xf32>
      %lt3A_185 = arith.cmpf olt, %mul3A_184, %bitcast3A : vector<16xf32>
      %jit3A_186 = arith.constant 1 : i32
      %jit3A_187 = arith.constant 0 : i32
      %broadcast_in_dim3A_188 = vector.broadcast %jit3A_186 : i32 to vector<16xi32>
      %broadcast_in_dim3A_189 = vector.broadcast %jit3A_187 : i32 to vector<16xi32>
      %select_n3A_190 = arith.select %lt3A_185, %broadcast_in_dim3A_188, %broadcast_in_dim3A_189 : vector<16xi1>, vector<16xi32>
      %add3A_191 = arith.addi %add3A_176, %select_n3A_190 : vector<16xi32>
      %add3A_192 = arith.constant 144 : i32
      %add3A_193 = arith.addi %mul3A_59, %add3A_192 : i32
      %get3A_194 = arith.index_cast %add3A_193 : i32 to index
      %get3A_195 = tpu.vector_load %arg5[%get3A_194] {strides = array<i32>} : memref<16384xf32, #tpu.memory_space<vmem>>, vector<16xf32>,
      %get3A_196 = arith.index_cast %add3A_193 : i32 to index
      %get3A_197 = tpu.vector_load %arg6[%get3A_196] {strides = array<i32>} : memref<16384xf32, #tpu.memory_space<vmem>>, vector<16xf32>,
      %sub3A_198 = arith.subf %get3A_195, %get3A_197 : vector<16xf32>
      %mul3A_199 = arith.mulf %sub3A_198, %sub3A_198 : vector<16xf32>
      %lt3A_200 = arith.cmpf olt, %mul3A_199, %bitcast3A : vector<16xf32>
      %jit3A_201 = arith.constant 1 : i32
      %jit3A_202 = arith.constant 0 : i32
      %broadcast_in_dim3A_203 = vector.broadcast %jit3A_201 : i32 to vector<16xi32>
      %broadcast_in_dim3A_204 = vector.broadcast %jit3A_202 : i32 to vector<16xi32>
      %select_n3A_205 = arith.select %lt3A_200, %broadcast_in_dim3A_203, %broadcast_in_dim3A_204 : vector<16xi1>, vector<16xi32>
      %add3A_206 = arith.addi %add3A_191, %select_n3A_205 : vector<16xi32>
      %add3A_207 = arith.constant 160 : i32
      %add3A_208 = arith.addi %mul3A_59, %add3A_207 : i32
      %get3A_209 = arith.index_cast %add3A_208 : i32 to index
      %get3A_210 = tpu.vector_load %arg5[%get3A_209] {strides = array<i32>} : memref<16384xf32, #tpu.memory_space<vmem>>, vector<16xf32>,
      %get3A_211 = arith.index_cast %add3A_208 : i32 to index
      %get3A_212 = tpu.vector_load %arg6[%get3A_211] {strides = array<i32>} : memref<16384xf32, #tpu.memory_space<vmem>>, vector<16xf32>,
      %sub3A_213 = arith.subf %get3A_210, %get3A_212 : vector<16xf32>
      %mul3A_214 = arith.mulf %sub3A_213, %sub3A_213 : vector<16xf32>
      %lt3A_215 = arith.cmpf olt, %mul3A_214, %bitcast3A : vector<16xf32>
      %jit3A_216 = arith.constant 1 : i32
      %jit3A_217 = arith.constant 0 : i32
      %broadcast_in_dim3A_218 = vector.broadcast %jit3A_216 : i32 to vector<16xi32>
      %broadcast_in_dim3A_219 = vector.broadcast %jit3A_217 : i32 to vector<16xi32>
      %select_n3A_220 = arith.select %lt3A_215, %broadcast_in_dim3A_218, %broadcast_in_dim3A_219 : vector<16xi1>, vector<16xi32>
      %add3A_221 = arith.addi %add3A_206, %select_n3A_220 : vector<16xi32>
      %add3A_222 = arith.constant 176 : i32
      %add3A_223 = arith.addi %mul3A_59, %add3A_222 : i32
      %get3A_224 = arith.index_cast %add3A_223 : i32 to index
      %get3A_225 = tpu.vector_load %arg5[%get3A_224] {strides = array<i32>} : memref<16384xf32, #tpu.memory_space<vmem>>, vector<16xf32>,
      %get3A_226 = arith.index_cast %add3A_223 : i32 to index
      %get3A_227 = tpu.vector_load %arg6[%get3A_226] {strides = array<i32>} : memref<16384xf32, #tpu.memory_space<vmem>>, vector<16xf32>,
      %sub3A_228 = arith.subf %get3A_225, %get3A_227 : vector<16xf32>
      %mul3A_229 = arith.mulf %sub3A_228, %sub3A_228 : vector<16xf32>
      %lt3A_230 = arith.cmpf olt, %mul3A_229, %bitcast3A : vector<16xf32>
      %jit3A_231 = arith.constant 1 : i32
      %jit3A_232 = arith.constant 0 : i32
      %broadcast_in_dim3A_233 = vector.broadcast %jit3A_231 : i32 to vector<16xi32>
      %broadcast_in_dim3A_234 = vector.broadcast %jit3A_232 : i32 to vector<16xi32>
      %select_n3A_235 = arith.select %lt3A_230, %broadcast_in_dim3A_233, %broadcast_in_dim3A_234 : vector<16xi1>, vector<16xi32>
      %add3A_236 = arith.addi %add3A_221, %select_n3A_235 : vector<16xi32>
      %add3A_237 = arith.constant 192 : i32
      %add3A_238 = arith.addi %mul3A_59, %add3A_237 : i32
      %get3A_239 = arith.index_cast %add3A_238 : i32 to index
      %get3A_240 = tpu.vector_load %arg5[%get3A_239] {strides = array<i32>} : memref<16384xf32, #tpu.memory_space<vmem>>, vector<16xf32>,
      %get3A_241 = arith.index_cast %add3A_238 : i32 to index
      %get3A_242 = tpu.vector_load %arg6[%get3A_241] {strides = array<i32>} : memref<16384xf32, #tpu.memory_space<vmem>>, vector<16xf32>,
      %sub3A_243 = arith.subf %get3A_240, %get3A_242 : vector<16xf32>
      %mul3A_244 = arith.mulf %sub3A_243, %sub3A_243 : vector<16xf32>
      %lt3A_245 = arith.cmpf olt, %mul3A_244, %bitcast3A : vector<16xf32>
      %jit3A_246 = arith.constant 1 : i32
      %jit3A_247 = arith.constant 0 : i32
      %broadcast_in_dim3A_248 = vector.broadcast %jit3A_246 : i32 to vector<16xi32>
      %broadcast_in_dim3A_249 = vector.broadcast %jit3A_247 : i32 to vector<16xi32>
      %select_n3A_250 = arith.select %lt3A_245, %broadcast_in_dim3A_248, %broadcast_in_dim3A_249 : vector<16xi1>, vector<16xi32>
      %add3A_251 = arith.addi %add3A_236, %select_n3A_250 : vector<16xi32>
      %add3A_252 = arith.constant 208 : i32
      %add3A_253 = arith.addi %mul3A_59, %add3A_252 : i32
      %get3A_254 = arith.index_cast %add3A_253 : i32 to index
      %get3A_255 = tpu.vector_load %arg5[%get3A_254] {strides = array<i32>} : memref<16384xf32, #tpu.memory_space<vmem>>, vector<16xf32>,
      %get3A_256 = arith.index_cast %add3A_253 : i32 to index
      %get3A_257 = tpu.vector_load %arg6[%get3A_256] {strides = array<i32>} : memref<16384xf32, #tpu.memory_space<vmem>>, vector<16xf32>,
      %sub3A_258 = arith.subf %get3A_255, %get3A_257 : vector<16xf32>
      %mul3A_259 = arith.mulf %sub3A_258, %sub3A_258 : vector<16xf32>
      %lt3A_260 = arith.cmpf olt, %mul3A_259, %bitcast3A : vector<16xf32>
      %jit3A_261 = arith.constant 1 : i32
      %jit3A_262 = arith.constant 0 : i32
      %broadcast_in_dim3A_263 = vector.broadcast %jit3A_261 : i32 to vector<16xi32>
      %broadcast_in_dim3A_264 = vector.broadcast %jit3A_262 : i32 to vector<16xi32>
      %select_n3A_265 = arith.select %lt3A_260, %broadcast_in_dim3A_263, %broadcast_in_dim3A_264 : vector<16xi1>, vector<16xi32>
      %add3A_266 = arith.addi %add3A_251, %select_n3A_265 : vector<16xi32>
      %add3A_267 = arith.constant 224 : i32
      %add3A_268 = arith.addi %mul3A_59, %add3A_267 : i32
      %get3A_269 = arith.index_cast %add3A_268 : i32 to index
      %get3A_270 = tpu.vector_load %arg5[%get3A_269] {strides = array<i32>} : memref<16384xf32, #tpu.memory_space<vmem>>, vector<16xf32>,
      %get3A_271 = arith.index_cast %add3A_268 : i32 to index
      %get3A_272 = tpu.vector_load %arg6[%get3A_271] {strides = array<i32>} : memref<16384xf32, #tpu.memory_space<vmem>>, vector<16xf32>,
      %sub3A_273 = arith.subf %get3A_270, %get3A_272 : vector<16xf32>
      %mul3A_274 = arith.mulf %sub3A_273, %sub3A_273 : vector<16xf32>
      %lt3A_275 = arith.cmpf olt, %mul3A_274, %bitcast3A : vector<16xf32>
      %jit3A_276 = arith.constant 1 : i32
      %jit3A_277 = arith.constant 0 : i32
      %broadcast_in_dim3A_278 = vector.broadcast %jit3A_276 : i32 to vector<16xi32>
      %broadcast_in_dim3A_279 = vector.broadcast %jit3A_277 : i32 to vector<16xi32>
      %select_n3A_280 = arith.select %lt3A_275, %broadcast_in_dim3A_278, %broadcast_in_dim3A_279 : vector<16xi1>, vector<16xi32>
      %add3A_281 = arith.addi %add3A_266, %select_n3A_280 : vector<16xi32>
      %add3A_282 = arith.constant 240 : i32
      %add3A_283 = arith.addi %mul3A_59, %add3A_282 : i32
      %get3A_284 = arith.index_cast %add3A_283 : i32 to index
      %get3A_285 = tpu.vector_load %arg5[%get3A_284] {strides = array<i32>} : memref<16384xf32, #tpu.memory_space<vmem>>, vector<16xf32>,
      %get3A_286 = arith.index_cast %add3A_283 : i32 to index
      %get3A_287 = tpu.vector_load %arg6[%get3A_286] {strides = array<i32>} : memref<16384xf32, #tpu.memory_space<vmem>>, vector<16xf32>,
      %sub3A_288 = arith.subf %get3A_285, %get3A_287 : vector<16xf32>
      %mul3A_289 = arith.mulf %sub3A_288, %sub3A_288 : vector<16xf32>
      %lt3A_290 = arith.cmpf olt, %mul3A_289, %bitcast3A : vector<16xf32>
      %jit3A_291 = arith.constant 1 : i32
      %jit3A_292 = arith.constant 0 : i32
      %broadcast_in_dim3A_293 = vector.broadcast %jit3A_291 : i32 to vector<16xi32>
      %broadcast_in_dim3A_294 = vector.broadcast %jit3A_292 : i32 to vector<16xi32>
      %select_n3A_295 = arith.select %lt3A_290, %broadcast_in_dim3A_293, %broadcast_in_dim3A_294 : vector<16xi1>, vector<16xi32>
      %add3A_296 = arith.addi %add3A_281, %select_n3A_295 : vector<16xi32>
      scf.yield %add3A_296 : vector<16xi32>
    }
    %scan3A_43 = arith.constant 64 : i32
    %dma_wait3A_44 = tpu.memref_slice %arg2[%add3A_30] : memref<2097152xf32, #tpu.memory_space<hbm>> -> memref<16384xf32, #tpu.memory_space<hbm>>
    %dma_wait3A_45 = tpu.memref_slice %arg2[%add3A_30] : memref<2097152xf32, #tpu.memory_space<hbm>> -> memref<16384xf32, #tpu.memory_space<hbm>>
    tpu.wait_dma2 semaphore(%arg14 : memref<!tpu.dma_semaphore, #tpu.memory_space<semaphore_mem>>) src(%dma_wait3A_45 : memref<16384xf32, #tpu.memory_space<hbm>>) dst(%arg7 : memref<16384xf32, #tpu.memory_space<vmem>>)
    %dma_wait3A_46 = tpu.memref_slice %arg3[%add3A_30] : memref<2097152xf32, #tpu.memory_space<hbm>> -> memref<16384xf32, #tpu.memory_space<hbm>>
    %dma_wait3A_47 = tpu.memref_slice %arg3[%add3A_30] : memref<2097152xf32, #tpu.memory_space<hbm>> -> memref<16384xf32, #tpu.memory_space<hbm>>
    tpu.wait_dma2 semaphore(%arg15 : memref<!tpu.dma_semaphore, #tpu.memory_space<semaphore_mem>>) src(%dma_wait3A_47 : memref<16384xf32, #tpu.memory_space<hbm>>) dst(%arg8 : memref<16384xf32, #tpu.memory_space<vmem>>)
    %scan3A_48 = arith.constant 0 : i32
    %scan3A_49 = arith.constant 64 : i32
    %scan3A_50 = arith.addi %scan3A_48, %scan3A_49 : i32
    %scan3A_51 = arith.constant 1 : i32
    %scan3A_52 = scf.for %scan3A_56 = %scan3A_48 to %scan3A_50 step %scan3A_51 iter_args(%scan3A_57 = %scan3A_42) -> (vector<16xi32>)  : i32 {
      %mul3A_58 = arith.constant 256 : i32
      %mul3A_59 = arith.muli %scan3A_56, %mul3A_58 : i32
      %add3A_60 = arith.constant 0 : i32
      %add3A_61 = arith.addi %mul3A_59, %add3A_60 : i32
      %get3A_62 = arith.index_cast %add3A_61 : i32 to index
      %get3A_63 = tpu.vector_load %arg7[%get3A_62] {strides = array<i32>} : memref<16384xf32, #tpu.memory_space<vmem>>, vector<16xf32>,
      %get3A_64 = arith.index_cast %add3A_61 : i32 to index
      %get3A_65 = tpu.vector_load %arg8[%get3A_64] {strides = array<i32>} : memref<16384xf32, #tpu.memory_space<vmem>>, vector<16xf32>,
      %sub3A_66 = arith.subf %get3A_63, %get3A_65 : vector<16xf32>
      %mul3A_67 = arith.mulf %sub3A_66, %sub3A_66 : vector<16xf32>
      %lt3A = arith.cmpf olt, %mul3A_67, %bitcast3A : vector<16xf32>
      %jit3A = arith.constant 1 : i32
      %jit3A_68 = arith.constant 0 : i32
      %broadcast_in_dim3A_69 = vector.broadcast %jit3A : i32 to vector<16xi32>
      %broadcast_in_dim3A_70 = vector.broadcast %jit3A_68 : i32 to vector<16xi32>
      %select_n3A = arith.select %lt3A, %broadcast_in_dim3A_69, %broadcast_in_dim3A_70 : vector<16xi1>, vector<16xi32>
      %add3A_71 = arith.addi %scan3A_57, %select_n3A : vector<16xi32>
      %add3A_72 = arith.constant 16 : i32
      %add3A_73 = arith.addi %mul3A_59, %add3A_72 : i32
      %get3A_74 = arith.index_cast %add3A_73 : i32 to index
      %get3A_75 = tpu.vector_load %arg7[%get3A_74] {strides = array<i32>} : memref<16384xf32, #tpu.memory_space<vmem>>, vector<16xf32>,
      %get3A_76 = arith.index_cast %add3A_73 : i32 to index
      %get3A_77 = tpu.vector_load %arg8[%get3A_76] {strides = array<i32>} : memref<16384xf32, #tpu.memory_space<vmem>>, vector<16xf32>,
      %sub3A_78 = arith.subf %get3A_75, %get3A_77 : vector<16xf32>
      %mul3A_79 = arith.mulf %sub3A_78, %sub3A_78 : vector<16xf32>
      %lt3A_80 = arith.cmpf olt, %mul3A_79, %bitcast3A : vector<16xf32>
      %jit3A_81 = arith.constant 1 : i32
      %jit3A_82 = arith.constant 0 : i32
      %broadcast_in_dim3A_83 = vector.broadcast %jit3A_81 : i32 to vector<16xi32>
      %broadcast_in_dim3A_84 = vector.broadcast %jit3A_82 : i32 to vector<16xi32>
      %select_n3A_85 = arith.select %lt3A_80, %broadcast_in_dim3A_83, %broadcast_in_dim3A_84 : vector<16xi1>, vector<16xi32>
      %add3A_86 = arith.addi %add3A_71, %select_n3A_85 : vector<16xi32>
      %add3A_87 = arith.constant 32 : i32
      %add3A_88 = arith.addi %mul3A_59, %add3A_87 : i32
      %get3A_89 = arith.index_cast %add3A_88 : i32 to index
      %get3A_90 = tpu.vector_load %arg7[%get3A_89] {strides = array<i32>} : memref<16384xf32, #tpu.memory_space<vmem>>, vector<16xf32>,
      %get3A_91 = arith.index_cast %add3A_88 : i32 to index
      %get3A_92 = tpu.vector_load %arg8[%get3A_91] {strides = array<i32>} : memref<16384xf32, #tpu.memory_space<vmem>>, vector<16xf32>,
      %sub3A_93 = arith.subf %get3A_90, %get3A_92 : vector<16xf32>
      %mul3A_94 = arith.mulf %sub3A_93, %sub3A_93 : vector<16xf32>
      %lt3A_95 = arith.cmpf olt, %mul3A_94, %bitcast3A : vector<16xf32>
      %jit3A_96 = arith.constant 1 : i32
      %jit3A_97 = arith.constant 0 : i32
      %broadcast_in_dim3A_98 = vector.broadcast %jit3A_96 : i32 to vector<16xi32>
      %broadcast_in_dim3A_99 = vector.broadcast %jit3A_97 : i32 to vector<16xi32>
      %select_n3A_100 = arith.select %lt3A_95, %broadcast_in_dim3A_98, %broadcast_in_dim3A_99 : vector<16xi1>, vector<16xi32>
      %add3A_101 = arith.addi %add3A_86, %select_n3A_100 : vector<16xi32>
      %add3A_102 = arith.constant 48 : i32
      %add3A_103 = arith.addi %mul3A_59, %add3A_102 : i32
      %get3A_104 = arith.index_cast %add3A_103 : i32 to index
      %get3A_105 = tpu.vector_load %arg7[%get3A_104] {strides = array<i32>} : memref<16384xf32, #tpu.memory_space<vmem>>, vector<16xf32>,
      %get3A_106 = arith.index_cast %add3A_103 : i32 to index
      %get3A_107 = tpu.vector_load %arg8[%get3A_106] {strides = array<i32>} : memref<16384xf32, #tpu.memory_space<vmem>>, vector<16xf32>,
      %sub3A_108 = arith.subf %get3A_105, %get3A_107 : vector<16xf32>
      %mul3A_109 = arith.mulf %sub3A_108, %sub3A_108 : vector<16xf32>
      %lt3A_110 = arith.cmpf olt, %mul3A_109, %bitcast3A : vector<16xf32>
      %jit3A_111 = arith.constant 1 : i32
      %jit3A_112 = arith.constant 0 : i32
      %broadcast_in_dim3A_113 = vector.broadcast %jit3A_111 : i32 to vector<16xi32>
      %broadcast_in_dim3A_114 = vector.broadcast %jit3A_112 : i32 to vector<16xi32>
      %select_n3A_115 = arith.select %lt3A_110, %broadcast_in_dim3A_113, %broadcast_in_dim3A_114 : vector<16xi1>, vector<16xi32>
      %add3A_116 = arith.addi %add3A_101, %select_n3A_115 : vector<16xi32>
      %add3A_117 = arith.constant 64 : i32
      %add3A_118 = arith.addi %mul3A_59, %add3A_117 : i32
      %get3A_119 = arith.index_cast %add3A_118 : i32 to index
      %get3A_120 = tpu.vector_load %arg7[%get3A_119] {strides = array<i32>} : memref<16384xf32, #tpu.memory_space<vmem>>, vector<16xf32>,
      %get3A_121 = arith.index_cast %add3A_118 : i32 to index
      %get3A_122 = tpu.vector_load %arg8[%get3A_121] {strides = array<i32>} : memref<16384xf32, #tpu.memory_space<vmem>>, vector<16xf32>,
      %sub3A_123 = arith.subf %get3A_120, %get3A_122 : vector<16xf32>
      %mul3A_124 = arith.mulf %sub3A_123, %sub3A_123 : vector<16xf32>
      %lt3A_125 = arith.cmpf olt, %mul3A_124, %bitcast3A : vector<16xf32>
      %jit3A_126 = arith.constant 1 : i32
      %jit3A_127 = arith.constant 0 : i32
      %broadcast_in_dim3A_128 = vector.broadcast %jit3A_126 : i32 to vector<16xi32>
      %broadcast_in_dim3A_129 = vector.broadcast %jit3A_127 : i32 to vector<16xi32>
      %select_n3A_130 = arith.select %lt3A_125, %broadcast_in_dim3A_128, %broadcast_in_dim3A_129 : vector<16xi1>, vector<16xi32>
      %add3A_131 = arith.addi %add3A_116, %select_n3A_130 : vector<16xi32>
      %add3A_132 = arith.constant 80 : i32
      %add3A_133 = arith.addi %mul3A_59, %add3A_132 : i32
      %get3A_134 = arith.index_cast %add3A_133 : i32 to index
      %get3A_135 = tpu.vector_load %arg7[%get3A_134] {strides = array<i32>} : memref<16384xf32, #tpu.memory_space<vmem>>, vector<16xf32>,
      %get3A_136 = arith.index_cast %add3A_133 : i32 to index
      %get3A_137 = tpu.vector_load %arg8[%get3A_136] {strides = array<i32>} : memref<16384xf32, #tpu.memory_space<vmem>>, vector<16xf32>,
      %sub3A_138 = arith.subf %get3A_135, %get3A_137 : vector<16xf32>
      %mul3A_139 = arith.mulf %sub3A_138, %sub3A_138 : vector<16xf32>
      %lt3A_140 = arith.cmpf olt, %mul3A_139, %bitcast3A : vector<16xf32>
      %jit3A_141 = arith.constant 1 : i32
      %jit3A_142 = arith.constant 0 : i32
      %broadcast_in_dim3A_143 = vector.broadcast %jit3A_141 : i32 to vector<16xi32>
      %broadcast_in_dim3A_144 = vector.broadcast %jit3A_142 : i32 to vector<16xi32>
      %select_n3A_145 = arith.select %lt3A_140, %broadcast_in_dim3A_143, %broadcast_in_dim3A_144 : vector<16xi1>, vector<16xi32>
      %add3A_146 = arith.addi %add3A_131, %select_n3A_145 : vector<16xi32>
      %add3A_147 = arith.constant 96 : i32
      %add3A_148 = arith.addi %mul3A_59, %add3A_147 : i32
      %get3A_149 = arith.index_cast %add3A_148 : i32 to index
      %get3A_150 = tpu.vector_load %arg7[%get3A_149] {strides = array<i32>} : memref<16384xf32, #tpu.memory_space<vmem>>, vector<16xf32>,
      %get3A_151 = arith.index_cast %add3A_148 : i32 to index
      %get3A_152 = tpu.vector_load %arg8[%get3A_151] {strides = array<i32>} : memref<16384xf32, #tpu.memory_space<vmem>>, vector<16xf32>,
      %sub3A_153 = arith.subf %get3A_150, %get3A_152 : vector<16xf32>
      %mul3A_154 = arith.mulf %sub3A_153, %sub3A_153 : vector<16xf32>
      %lt3A_155 = arith.cmpf olt, %mul3A_154, %bitcast3A : vector<16xf32>
      %jit3A_156 = arith.constant 1 : i32
      %jit3A_157 = arith.constant 0 : i32
      %broadcast_in_dim3A_158 = vector.broadcast %jit3A_156 : i32 to vector<16xi32>
      %broadcast_in_dim3A_159 = vector.broadcast %jit3A_157 : i32 to vector<16xi32>
      %select_n3A_160 = arith.select %lt3A_155, %broadcast_in_dim3A_158, %broadcast_in_dim3A_159 : vector<16xi1>, vector<16xi32>
      %add3A_161 = arith.addi %add3A_146, %select_n3A_160 : vector<16xi32>
      %add3A_162 = arith.constant 112 : i32
      %add3A_163 = arith.addi %mul3A_59, %add3A_162 : i32
      %get3A_164 = arith.index_cast %add3A_163 : i32 to index
      %get3A_165 = tpu.vector_load %arg7[%get3A_164] {strides = array<i32>} : memref<16384xf32, #tpu.memory_space<vmem>>, vector<16xf32>,
      %get3A_166 = arith.index_cast %add3A_163 : i32 to index
      %get3A_167 = tpu.vector_load %arg8[%get3A_166] {strides = array<i32>} : memref<16384xf32, #tpu.memory_space<vmem>>, vector<16xf32>,
      %sub3A_168 = arith.subf %get3A_165, %get3A_167 : vector<16xf32>
      %mul3A_169 = arith.mulf %sub3A_168, %sub3A_168 : vector<16xf32>
      %lt3A_170 = arith.cmpf olt, %mul3A_169, %bitcast3A : vector<16xf32>
      %jit3A_171 = arith.constant 1 : i32
      %jit3A_172 = arith.constant 0 : i32
      %broadcast_in_dim3A_173 = vector.broadcast %jit3A_171 : i32 to vector<16xi32>
      %broadcast_in_dim3A_174 = vector.broadcast %jit3A_172 : i32 to vector<16xi32>
      %select_n3A_175 = arith.select %lt3A_170, %broadcast_in_dim3A_173, %broadcast_in_dim3A_174 : vector<16xi1>, vector<16xi32>
      %add3A_176 = arith.addi %add3A_161, %select_n3A_175 : vector<16xi32>
      %add3A_177 = arith.constant 128 : i32
      %add3A_178 = arith.addi %mul3A_59, %add3A_177 : i32
      %get3A_179 = arith.index_cast %add3A_178 : i32 to index
      %get3A_180 = tpu.vector_load %arg7[%get3A_179] {strides = array<i32>} : memref<16384xf32, #tpu.memory_space<vmem>>, vector<16xf32>,
      %get3A_181 = arith.index_cast %add3A_178 : i32 to index
      %get3A_182 = tpu.vector_load %arg8[%get3A_181] {strides = array<i32>} : memref<16384xf32, #tpu.memory_space<vmem>>, vector<16xf32>,
      %sub3A_183 = arith.subf %get3A_180, %get3A_182 : vector<16xf32>
      %mul3A_184 = arith.mulf %sub3A_183, %sub3A_183 : vector<16xf32>
      %lt3A_185 = arith.cmpf olt, %mul3A_184, %bitcast3A : vector<16xf32>
      %jit3A_186 = arith.constant 1 : i32
      %jit3A_187 = arith.constant 0 : i32
      %broadcast_in_dim3A_188 = vector.broadcast %jit3A_186 : i32 to vector<16xi32>
      %broadcast_in_dim3A_189 = vector.broadcast %jit3A_187 : i32 to vector<16xi32>
      %select_n3A_190 = arith.select %lt3A_185, %broadcast_in_dim3A_188, %broadcast_in_dim3A_189 : vector<16xi1>, vector<16xi32>
      %add3A_191 = arith.addi %add3A_176, %select_n3A_190 : vector<16xi32>
      %add3A_192 = arith.constant 144 : i32
      %add3A_193 = arith.addi %mul3A_59, %add3A_192 : i32
      %get3A_194 = arith.index_cast %add3A_193 : i32 to index
      %get3A_195 = tpu.vector_load %arg7[%get3A_194] {strides = array<i32>} : memref<16384xf32, #tpu.memory_space<vmem>>, vector<16xf32>,
      %get3A_196 = arith.index_cast %add3A_193 : i32 to index
      %get3A_197 = tpu.vector_load %arg8[%get3A_196] {strides = array<i32>} : memref<16384xf32, #tpu.memory_space<vmem>>, vector<16xf32>,
      %sub3A_198 = arith.subf %get3A_195, %get3A_197 : vector<16xf32>
      %mul3A_199 = arith.mulf %sub3A_198, %sub3A_198 : vector<16xf32>
      %lt3A_200 = arith.cmpf olt, %mul3A_199, %bitcast3A : vector<16xf32>
      %jit3A_201 = arith.constant 1 : i32
      %jit3A_202 = arith.constant 0 : i32
      %broadcast_in_dim3A_203 = vector.broadcast %jit3A_201 : i32 to vector<16xi32>
      %broadcast_in_dim3A_204 = vector.broadcast %jit3A_202 : i32 to vector<16xi32>
      %select_n3A_205 = arith.select %lt3A_200, %broadcast_in_dim3A_203, %broadcast_in_dim3A_204 : vector<16xi1>, vector<16xi32>
      %add3A_206 = arith.addi %add3A_191, %select_n3A_205 : vector<16xi32>
      %add3A_207 = arith.constant 160 : i32
      %add3A_208 = arith.addi %mul3A_59, %add3A_207 : i32
      %get3A_209 = arith.index_cast %add3A_208 : i32 to index
      %get3A_210 = tpu.vector_load %arg7[%get3A_209] {strides = array<i32>} : memref<16384xf32, #tpu.memory_space<vmem>>, vector<16xf32>,
      %get3A_211 = arith.index_cast %add3A_208 : i32 to index
      %get3A_212 = tpu.vector_load %arg8[%get3A_211] {strides = array<i32>} : memref<16384xf32, #tpu.memory_space<vmem>>, vector<16xf32>,
      %sub3A_213 = arith.subf %get3A_210, %get3A_212 : vector<16xf32>
      %mul3A_214 = arith.mulf %sub3A_213, %sub3A_213 : vector<16xf32>
      %lt3A_215 = arith.cmpf olt, %mul3A_214, %bitcast3A : vector<16xf32>
      %jit3A_216 = arith.constant 1 : i32
      %jit3A_217 = arith.constant 0 : i32
      %broadcast_in_dim3A_218 = vector.broadcast %jit3A_216 : i32 to vector<16xi32>
      %broadcast_in_dim3A_219 = vector.broadcast %jit3A_217 : i32 to vector<16xi32>
      %select_n3A_220 = arith.select %lt3A_215, %broadcast_in_dim3A_218, %broadcast_in_dim3A_219 : vector<16xi1>, vector<16xi32>
      %add3A_221 = arith.addi %add3A_206, %select_n3A_220 : vector<16xi32>
      %add3A_222 = arith.constant 176 : i32
      %add3A_223 = arith.addi %mul3A_59, %add3A_222 : i32
      %get3A_224 = arith.index_cast %add3A_223 : i32 to index
      %get3A_225 = tpu.vector_load %arg7[%get3A_224] {strides = array<i32>} : memref<16384xf32, #tpu.memory_space<vmem>>, vector<16xf32>,
      %get3A_226 = arith.index_cast %add3A_223 : i32 to index
      %get3A_227 = tpu.vector_load %arg8[%get3A_226] {strides = array<i32>} : memref<16384xf32, #tpu.memory_space<vmem>>, vector<16xf32>,
      %sub3A_228 = arith.subf %get3A_225, %get3A_227 : vector<16xf32>
      %mul3A_229 = arith.mulf %sub3A_228, %sub3A_228 : vector<16xf32>
      %lt3A_230 = arith.cmpf olt, %mul3A_229, %bitcast3A : vector<16xf32>
      %jit3A_231 = arith.constant 1 : i32
      %jit3A_232 = arith.constant 0 : i32
      %broadcast_in_dim3A_233 = vector.broadcast %jit3A_231 : i32 to vector<16xi32>
      %broadcast_in_dim3A_234 = vector.broadcast %jit3A_232 : i32 to vector<16xi32>
      %select_n3A_235 = arith.select %lt3A_230, %broadcast_in_dim3A_233, %broadcast_in_dim3A_234 : vector<16xi1>, vector<16xi32>
      %add3A_236 = arith.addi %add3A_221, %select_n3A_235 : vector<16xi32>
      %add3A_237 = arith.constant 192 : i32
      %add3A_238 = arith.addi %mul3A_59, %add3A_237 : i32
      %get3A_239 = arith.index_cast %add3A_238 : i32 to index
      %get3A_240 = tpu.vector_load %arg7[%get3A_239] {strides = array<i32>} : memref<16384xf32, #tpu.memory_space<vmem>>, vector<16xf32>,
      %get3A_241 = arith.index_cast %add3A_238 : i32 to index
      %get3A_242 = tpu.vector_load %arg8[%get3A_241] {strides = array<i32>} : memref<16384xf32, #tpu.memory_space<vmem>>, vector<16xf32>,
      %sub3A_243 = arith.subf %get3A_240, %get3A_242 : vector<16xf32>
      %mul3A_244 = arith.mulf %sub3A_243, %sub3A_243 : vector<16xf32>
      %lt3A_245 = arith.cmpf olt, %mul3A_244, %bitcast3A : vector<16xf32>
      %jit3A_246 = arith.constant 1 : i32
      %jit3A_247 = arith.constant 0 : i32
      %broadcast_in_dim3A_248 = vector.broadcast %jit3A_246 : i32 to vector<16xi32>
      %broadcast_in_dim3A_249 = vector.broadcast %jit3A_247 : i32 to vector<16xi32>
      %select_n3A_250 = arith.select %lt3A_245, %broadcast_in_dim3A_248, %broadcast_in_dim3A_249 : vector<16xi1>, vector<16xi32>
      %add3A_251 = arith.addi %add3A_236, %select_n3A_250 : vector<16xi32>
      %add3A_252 = arith.constant 208 : i32
      %add3A_253 = arith.addi %mul3A_59, %add3A_252 : i32
      %get3A_254 = arith.index_cast %add3A_253 : i32 to index
      %get3A_255 = tpu.vector_load %arg7[%get3A_254] {strides = array<i32>} : memref<16384xf32, #tpu.memory_space<vmem>>, vector<16xf32>,
      %get3A_256 = arith.index_cast %add3A_253 : i32 to index
      %get3A_257 = tpu.vector_load %arg8[%get3A_256] {strides = array<i32>} : memref<16384xf32, #tpu.memory_space<vmem>>, vector<16xf32>,
      %sub3A_258 = arith.subf %get3A_255, %get3A_257 : vector<16xf32>
      %mul3A_259 = arith.mulf %sub3A_258, %sub3A_258 : vector<16xf32>
      %lt3A_260 = arith.cmpf olt, %mul3A_259, %bitcast3A : vector<16xf32>
      %jit3A_261 = arith.constant 1 : i32
      %jit3A_262 = arith.constant 0 : i32
      %broadcast_in_dim3A_263 = vector.broadcast %jit3A_261 : i32 to vector<16xi32>
      %broadcast_in_dim3A_264 = vector.broadcast %jit3A_262 : i32 to vector<16xi32>
      %select_n3A_265 = arith.select %lt3A_260, %broadcast_in_dim3A_263, %broadcast_in_dim3A_264 : vector<16xi1>, vector<16xi32>
      %add3A_266 = arith.addi %add3A_251, %select_n3A_265 : vector<16xi32>
      %add3A_267 = arith.constant 224 : i32
      %add3A_268 = arith.addi %mul3A_59, %add3A_267 : i32
      %get3A_269 = arith.index_cast %add3A_268 : i32 to index
      %get3A_270 = tpu.vector_load %arg7[%get3A_269] {strides = array<i32>} : memref<16384xf32, #tpu.memory_space<vmem>>, vector<16xf32>,
      %get3A_271 = arith.index_cast %add3A_268 : i32 to index
      %get3A_272 = tpu.vector_load %arg8[%get3A_271] {strides = array<i32>} : memref<16384xf32, #tpu.memory_space<vmem>>, vector<16xf32>,
      %sub3A_273 = arith.subf %get3A_270, %get3A_272 : vector<16xf32>
      %mul3A_274 = arith.mulf %sub3A_273, %sub3A_273 : vector<16xf32>
      %lt3A_275 = arith.cmpf olt, %mul3A_274, %bitcast3A : vector<16xf32>
      %jit3A_276 = arith.constant 1 : i32
      %jit3A_277 = arith.constant 0 : i32
      %broadcast_in_dim3A_278 = vector.broadcast %jit3A_276 : i32 to vector<16xi32>
      %broadcast_in_dim3A_279 = vector.broadcast %jit3A_277 : i32 to vector<16xi32>
      %select_n3A_280 = arith.select %lt3A_275, %broadcast_in_dim3A_278, %broadcast_in_dim3A_279 : vector<16xi1>, vector<16xi32>
      %add3A_281 = arith.addi %add3A_266, %select_n3A_280 : vector<16xi32>
      %add3A_282 = arith.constant 240 : i32
      %add3A_283 = arith.addi %mul3A_59, %add3A_282 : i32
      %get3A_284 = arith.index_cast %add3A_283 : i32 to index
      %get3A_285 = tpu.vector_load %arg7[%get3A_284] {strides = array<i32>} : memref<16384xf32, #tpu.memory_space<vmem>>, vector<16xf32>,
      %get3A_286 = arith.index_cast %add3A_283 : i32 to index
      %get3A_287 = tpu.vector_load %arg8[%get3A_286] {strides = array<i32>} : memref<16384xf32, #tpu.memory_space<vmem>>, vector<16xf32>,
      %sub3A_288 = arith.subf %get3A_285, %get3A_287 : vector<16xf32>
      %mul3A_289 = arith.mulf %sub3A_288, %sub3A_288 : vector<16xf32>
      %lt3A_290 = arith.cmpf olt, %mul3A_289, %bitcast3A : vector<16xf32>
      %jit3A_291 = arith.constant 1 : i32
      %jit3A_292 = arith.constant 0 : i32
      %broadcast_in_dim3A_293 = vector.broadcast %jit3A_291 : i32 to vector<16xi32>
      %broadcast_in_dim3A_294 = vector.broadcast %jit3A_292 : i32 to vector<16xi32>
      %select_n3A_295 = arith.select %lt3A_290, %broadcast_in_dim3A_293, %broadcast_in_dim3A_294 : vector<16xi1>, vector<16xi32>
      %add3A_296 = arith.addi %add3A_281, %select_n3A_295 : vector<16xi32>
      scf.yield %add3A_296 : vector<16xi32>
    }
    %scan3A_53 = arith.constant 64 : i32
    %swap3A_54 = arith.constant 0 : index
    %swap3A_55 = tpu.vector_load %arg11[%swap3A_54] {strides = array<i32>} : memref<16xi32, #tpu.memory_space<vmem>>, vector<16xi32>,
    tpu.vector_store %arg11[%swap3A_54], %scan3A_52 {strides = array<i32>} : memref<16xi32, #tpu.memory_space<vmem>>, vector<16xi32>,
    "tpu.region"() ({
      %run_scoped3A = tpu.sem_alloc : memref<!tpu.dma_semaphore, #tpu.memory_space<semaphore_mem>>
      %dma_start3A_56 = arith.constant 0 : i32
      %dma_start3A_57 = tpu.memref_slice %arg4[%add3A, %dma_start3A_56] : memref<32x16xi32, #tpu.memory_space<hbm>> -> memref<1x16xi32, #tpu.memory_space<hbm>>
      %dma_start3A_58 = tpu.memref_squeeze %dma_start3A_57 : memref<1x16xi32, #tpu.memory_space<hbm>> -> memref<16xi32, #tpu.memory_space<hbm>>
      %dma_start3A_59 = arith.constant 0 : i32
      %dma_start3A_60 = tpu.memref_slice %arg4[%add3A, %dma_start3A_59] : memref<32x16xi32, #tpu.memory_space<hbm>> -> memref<1x16xi32, #tpu.memory_space<hbm>>
      %dma_start3A_61 = tpu.memref_squeeze %dma_start3A_60 : memref<1x16xi32, #tpu.memory_space<hbm>> -> memref<16xi32, #tpu.memory_space<hbm>>
      tpu.enqueue_dma source(%arg11 : memref<16xi32, #tpu.memory_space<vmem>>) target(%dma_start3A_61 : memref<16xi32, #tpu.memory_space<hbm>>) target_semaphore(%run_scoped3A : memref<!tpu.dma_semaphore, #tpu.memory_space<semaphore_mem>>)
      %dma_wait3A_62 = arith.constant 0 : i32
      %dma_wait3A_63 = tpu.memref_slice %arg4[%add3A, %dma_wait3A_62] : memref<32x16xi32, #tpu.memory_space<hbm>> -> memref<1x16xi32, #tpu.memory_space<hbm>>
      %dma_wait3A_64 = tpu.memref_squeeze %dma_wait3A_63 : memref<1x16xi32, #tpu.memory_space<hbm>> -> memref<16xi32, #tpu.memory_space<hbm>>
      %dma_wait3A_65 = arith.constant 0 : i32
      %dma_wait3A_66 = tpu.memref_slice %arg4[%add3A, %dma_wait3A_65] : memref<32x16xi32, #tpu.memory_space<hbm>> -> memref<1x16xi32, #tpu.memory_space<hbm>>
      %dma_wait3A_67 = tpu.memref_squeeze %dma_wait3A_66 : memref<1x16xi32, #tpu.memory_space<hbm>> -> memref<16xi32, #tpu.memory_space<hbm>>
      tpu.wait_dma2 semaphore(%run_scoped3A : memref<!tpu.dma_semaphore, #tpu.memory_space<semaphore_mem>>) src(%arg11 : memref<16xi32, #tpu.memory_space<vmem>>) dst(%dma_wait3A_67 : memref<16xi32, #tpu.memory_space<hbm>>)
      tpu.yield
    }) : () -> ()
    return
  }
}

module attributes {stable_mosaic.version = 14 : i64} {
  func.func @_tca_body(%arg0: i32, %arg1: memref<131072xf32, #tpu.memory_space<vmem>>, %arg2: memref<131072xf32, #tpu.memory_space<vmem>>, %arg3: memref<64x1024xf32, #tpu.memory_space<vmem>>, %arg4: memref<1x2xi32, #tpu.memory_space<smem>>, %arg5: memref<1xf32, #tpu.memory_space<smem>>) attributes {dimension_semantics = [#tpu.dimension_semantics<arbitrary>], iteration_bounds = array<i64: 8>, scalar_prefetch = 0 : i64, scratch_operands = 1 : i64, tpu.core_type = #tpu.core_type<tc>, window_params = [{transform_indices = @transform_0, window_bounds = array<i64: 131072>}, {transform_indices = @transform_1, window_bounds = array<i64: 131072>}, {pipeline_mode = #tpu.pipeline_mode<synchronous>, transform_indices = @transform_2, window_bounds = array<i64: 64, 1024>}, {transform_indices = @transform_3, window_bounds = array<i64: 1, 2>}]} {
    %eq3A = arith.constant 0 : i32
    %eq3A_0 = arith.cmpi eq, %arg0, %eq3A : i32
    %convert_element_type3A = arith.extui %eq3A_0 : i1 to i32
    %cond3A = arith.constant 0 : i32
    %cond3A_1 = arith.cmpi ne, %convert_element_type3A, %cond3A : i32
    scf.if %cond3A_1 {
      %get3A_21 = arith.constant 0 : index
      %get3A_22 = vector.load %arg1[%get3A_21] : memref<131072xf32, #tpu.memory_space<vmem>>, vector<128xf32>
      %get3A_23 = arith.constant 0 : index
      %get3A_24 = vector.load %arg2[%get3A_23] : memref<131072xf32, #tpu.memory_space<vmem>>, vector<128xf32>
      %sub3A_25 = arith.subf %get3A_22, %get3A_24 : vector<128xf32>
      %reshape3A_26 = vector.shape_cast %sub3A_25 : vector<128xf32> to vector<1x128xf32>
      %abs3A_27 = math.absf %reshape3A_26 : vector<1x128xf32>
      %mul3A_28 = arith.mulf %abs3A_27, %abs3A_27 : vector<1x128xf32>
      %neg3A_29 = arith.constant 0.000000e+00 : f32
      %neg3A_30 = vector.broadcast %neg3A_29 : f32 to vector<1x128xf32>
      %neg3A_31 = arith.subf %neg3A_30, %mul3A_28 : vector<1x128xf32>
      %exp3A_32 = math.exp %neg3A_31 : vector<1x128xf32>
      %iota3A = tpu.iota {dimensions = array<i32: 1>} : vector<1x128xi32>
      %eq3A_33 = arith.constant 0 : i32
      %eq3A_34 = vector.broadcast %eq3A_33 : i32 to vector<1x128xi32>
      %eq3A_35 = arith.cmpi eq, %iota3A, %eq3A_34 : vector<1x128xi32>
      %jit3A_36 = arith.constant 0.000000e+00 : f32
      %broadcast_in_dim3A_37 = vector.broadcast %jit3A_36 : f32 to vector<1x128xf32>
      %select_n3A_38 = arith.select %eq3A_35, %exp3A_32, %broadcast_in_dim3A_37 : vector<1x128xi1>, vector<1x128xf32>
      %reduce_sum3A_39 = vector.shape_cast %select_n3A_38 : vector<1x128xf32> to vector<1x1x128xf32>
      %reduce_sum3A_40 = arith.constant dense<0.000000e+00> : vector<1xf32>
      %reduce_sum3A_41 = vector.multi_reduction <add>, %reduce_sum3A_39, %reduce_sum3A_40 [1, 2] : vector<1x1x128xf32> to vector<1xf32>
      %reduce_sum3A_42 = vector.shape_cast %reduce_sum3A_41 : vector<1xf32> to vector<1x1x1xf32>
      %reduce_sum3A_43 = vector.extract %reduce_sum3A_42[0, 0, 0] : f32 from vector<1x1x1xf32>
      %swap3A_44 = arith.constant 0 : index
      %swap3A_45 = memref.load %arg5[%swap3A_44] : memref<1xf32, #tpu.memory_space<smem>>
      memref.store %reduce_sum3A_43, %arg5[%swap3A_44] : memref<1xf32, #tpu.memory_space<smem>>
      %swap3A_46 = arith.constant 0 : i32
      %swap3A_47 = arith.constant 0 : index
      %swap3A_48 = arith.constant 0 : index
      %swap3A_49 = memref.load %arg4[%swap3A_47, %swap3A_48] : memref<1x2xi32, #tpu.memory_space<smem>>
      memref.store %swap3A_46, %arg4[%swap3A_47, %swap3A_48] : memref<1x2xi32, #tpu.memory_space<smem>>
      %get3A_50 = arith.constant 0 : index
      %get3A_51 = arith.constant 0 : index
      %get3A_52 = vector.load %arg3[%get3A_50, %get3A_51] : memref<64x1024xf32, #tpu.memory_space<vmem>>, vector<64x1024xf32>
      %ne3A = arith.constant 0.000000e+00 : f32
      %ne3A_53 = vector.broadcast %ne3A : f32 to vector<64x1024xf32>
      %ne3A_54 = arith.cmpf one, %get3A_52, %ne3A_53 : vector<64x1024xf32>
      %convert_element_type3A_55 = arith.extui %ne3A_54 : vector<64x1024xi1> to vector<64x1024xi32>
      %reduce_sum3A_56 = vector.shape_cast %convert_element_type3A_55 : vector<64x1024xi32> to vector<1x64x1024xi32>
      %reduce_sum3A_57 = arith.constant dense<0> : vector<1xi32>
      %reduce_sum3A_58 = vector.multi_reduction <add>, %reduce_sum3A_56, %reduce_sum3A_57 [1, 2] : vector<1x64x1024xi32> to vector<1xi32>
      %reduce_sum3A_59 = vector.shape_cast %reduce_sum3A_58 : vector<1xi32> to vector<1x1x1xi32>
      %reduce_sum3A_60 = vector.extract %reduce_sum3A_59[0, 0, 0] : i32 from vector<1x1x1xi32>
      %swap3A_61 = arith.constant 0 : index
      %swap3A_62 = arith.constant 1 : index
      %swap3A_63 = memref.load %arg4[%swap3A_61, %swap3A_62] : memref<1x2xi32, #tpu.memory_space<smem>>
      memref.store %reduce_sum3A_60, %arg4[%swap3A_61, %swap3A_62] : memref<1x2xi32, #tpu.memory_space<smem>>
    } else {
    }
    %get3A = arith.constant 0 : index
    %get3A_2 = memref.load %arg5[%get3A] : memref<1xf32, #tpu.memory_space<smem>>
    %get3A_3 = arith.constant 0 : index
    %get3A_4 = vector.load %arg1[%get3A_3] : memref<131072xf32, #tpu.memory_space<vmem>>, vector<131072xf32>
    %get3A_5 = arith.constant 0 : index
    %get3A_6 = vector.load %arg2[%get3A_5] : memref<131072xf32, #tpu.memory_space<vmem>>, vector<131072xf32>
    %sub3A = arith.subf %get3A_4, %get3A_6 : vector<131072xf32>
    %reshape3A = vector.shape_cast %sub3A : vector<131072xf32> to vector<1024x128xf32>
    %abs3A = math.absf %reshape3A : vector<1024x128xf32>
    %mul3A = arith.mulf %abs3A, %abs3A : vector<1024x128xf32>
    %neg3A = arith.constant 0.000000e+00 : f32
    %neg3A_7 = vector.broadcast %neg3A : f32 to vector<1024x128xf32>
    %neg3A_8 = arith.subf %neg3A_7, %mul3A : vector<1024x128xf32>
    %exp3A = math.exp %neg3A_8 : vector<1024x128xf32>
    %gt3A = vector.broadcast %get3A_2 : f32 to vector<1024x128xf32>
    %gt3A_9 = arith.cmpf ogt, %exp3A, %gt3A : vector<1024x128xf32>
    %jit3A = arith.constant 1 : i32
    %jit3A_10 = arith.constant 0 : i32
    %broadcast_in_dim3A = vector.broadcast %jit3A : i32 to vector<1024x128xi32>
    %broadcast_in_dim3A_11 = vector.broadcast %jit3A_10 : i32 to vector<1024x128xi32>
    %select_n3A = arith.select %gt3A_9, %broadcast_in_dim3A, %broadcast_in_dim3A_11 : vector<1024x128xi1>, vector<1024x128xi32>
    %reduce_sum3A = vector.shape_cast %select_n3A : vector<1024x128xi32> to vector<1x1024x128xi32>
    %reduce_sum3A_12 = arith.constant dense<0> : vector<1xi32>
    %reduce_sum3A_13 = vector.multi_reduction <add>, %reduce_sum3A, %reduce_sum3A_12 [1, 2] : vector<1x1024x128xi32> to vector<1xi32>
    %reduce_sum3A_14 = vector.shape_cast %reduce_sum3A_13 : vector<1xi32> to vector<1x1x1xi32>
    %reduce_sum3A_15 = vector.extract %reduce_sum3A_14[0, 0, 0] : i32 from vector<1x1x1xi32>
    %get3A_16 = arith.constant 0 : index
    %get3A_17 = arith.constant 0 : index
    %get3A_18 = memref.load %arg4[%get3A_16, %get3A_17] : memref<1x2xi32, #tpu.memory_space<smem>>
    %add3A = arith.addi %get3A_18, %reduce_sum3A_15 : i32
    %swap3A = arith.constant 0 : index
    %swap3A_19 = arith.constant 0 : index
    %swap3A_20 = memref.load %arg4[%swap3A, %swap3A_19] : memref<1x2xi32, #tpu.memory_space<smem>>
    memref.store %add3A, %arg4[%swap3A, %swap3A_19] : memref<1x2xi32, #tpu.memory_space<smem>>
    return
  }
  func.func @transform_0(%arg0: i32) -> i32 {
    %c0_i32 = arith.constant 0 : i32
    return %arg0 : i32
  }
  func.func @transform_1(%arg0: i32) -> i32 {
    %c0_i32 = arith.constant 0 : i32
    return %arg0 : i32
  }
  func.func @transform_2(%arg0: i32) -> (i32, i32) {
    %c0_i32 = arith.constant 0 : i32
    %c0_i32_0 = arith.constant 0 : i32
    %c0_i32_1 = arith.constant 0 : i32
    return %c0_i32, %c0_i32_0 : i32, i32
  }
  func.func @transform_3(%arg0: i32) -> (i32, i32) {
    %c0_i32 = arith.constant 0 : i32
    %c0_i32_0 = arith.constant 0 : i32
    %c0_i32_1 = arith.constant 0 : i32
    return %c0_i32, %c0_i32_0 : i32, i32
  }
}

module attributes {stable_mosaic.version = 14 : i64} {
  func.func @_tc_body(%arg0: memref<32x16xi32, #tpu.memory_space<vmem>>, %arg1: memref<1x2xi32, #tpu.memory_space<smem>>, %arg2: memref<64x1024xf32, #tpu.memory_space<vmem>>, %arg3: memref<1x1xf32, #tpu.memory_space<smem>>) attributes {dimension_semantics = [], scalar_prefetch = 0 : i64, scratch_operands = 0 : i64, tpu.core_type = #tpu.core_type<tc>} {
    %get3A = arith.constant 0 : index
    %get3A_0 = arith.constant 0 : index
    %get3A_1 = vector.load %arg0[%get3A, %get3A_0] : memref<32x16xi32, #tpu.memory_space<vmem>>, vector<32x16xi32>
    %reduce_sum3A = vector.shape_cast %get3A_1 : vector<32x16xi32> to vector<1x32x16xi32>
    %reduce_sum3A_2 = arith.constant dense<0> : vector<1xi32>
    %reduce_sum3A_3 = vector.multi_reduction <add>, %reduce_sum3A, %reduce_sum3A_2 [1, 2] : vector<1x32x16xi32> to vector<1xi32>
    %reduce_sum3A_4 = vector.shape_cast %reduce_sum3A_3 : vector<1xi32> to vector<1x1x1xi32>
    %reduce_sum3A_5 = vector.extract %reduce_sum3A_4[0, 0, 0] : i32 from vector<1x1x1xi32>
    %get3A_6 = arith.constant 0 : index
    %get3A_7 = arith.constant 0 : index
    %get3A_8 = memref.load %arg1[%get3A_6, %get3A_7] : memref<1x2xi32, #tpu.memory_space<smem>>
    %add3A = arith.addi %reduce_sum3A_5, %get3A_8 : i32
    %get3A_9 = arith.constant 0 : index
    %get3A_10 = arith.constant 1 : index
    %get3A_11 = memref.load %arg1[%get3A_9, %get3A_10] : memref<1x2xi32, #tpu.memory_space<smem>>
    %get3A_12 = arith.constant 0 : index
    %get3A_13 = arith.constant 0 : index
    %get3A_14 = vector.load %arg2[%get3A_12, %get3A_13] : memref<64x1024xf32, #tpu.memory_space<vmem>>, vector<64x1024xf32>
    %iota3A = tpu.iota {dimensions = array<i32: 0>} : vector<64x1024xi32>
    %iota3A_15 = tpu.iota {dimensions = array<i32: 1>} : vector<64x1024xi32>
    %mul3A = arith.constant 1024 : i32
    %mul3A_16 = vector.broadcast %mul3A : i32 to vector<64x1024xi32>
    %mul3A_17 = arith.muli %iota3A, %mul3A_16 : vector<64x1024xi32>
    %add3A_18 = arith.addi %mul3A_17, %iota3A_15 : vector<64x1024xi32>
    %eq3A = vector.broadcast %add3A : i32 to vector<64x1024xi32>
    %eq3A_19 = arith.cmpi eq, %add3A_18, %eq3A : vector<64x1024xi32>
    %ne3A = arith.constant 0.000000e+00 : f32
    %ne3A_20 = vector.broadcast %ne3A : f32 to vector<64x1024xf32>
    %ne3A_21 = arith.cmpf one, %get3A_14, %ne3A_20 : vector<64x1024xf32>
    %and3A = arith.andi %eq3A_19, %ne3A_21 : vector<64x1024xi1>
    %jit3A = arith.constant 1 : i32
    %jit3A_22 = arith.constant 0 : i32
    %broadcast_in_dim3A = vector.broadcast %jit3A : i32 to vector<64x1024xi32>
    %broadcast_in_dim3A_23 = vector.broadcast %jit3A_22 : i32 to vector<64x1024xi32>
    %select_n3A = arith.select %and3A, %broadcast_in_dim3A, %broadcast_in_dim3A_23 : vector<64x1024xi1>, vector<64x1024xi32>
    %reduce_sum3A_24 = vector.shape_cast %select_n3A : vector<64x1024xi32> to vector<1x64x1024xi32>
    %reduce_sum3A_25 = arith.constant dense<0> : vector<1xi32>
    %reduce_sum3A_26 = vector.multi_reduction <add>, %reduce_sum3A_24, %reduce_sum3A_25 [1, 2] : vector<1x64x1024xi32> to vector<1xi32>
    %reduce_sum3A_27 = vector.shape_cast %reduce_sum3A_26 : vector<1xi32> to vector<1x1x1xi32>
    %reduce_sum3A_28 = vector.extract %reduce_sum3A_27[0, 0, 0] : i32 from vector<1x1x1xi32>
    %lt3A = arith.constant 65536 : i32
    %lt3A_29 = arith.cmpi slt, %add3A, %lt3A : i32
    %sub3A = arith.subi %get3A_11, %reduce_sum3A_28 : i32
    %select_n3A_30 = arith.select %lt3A_29, %sub3A, %get3A_11 : i32
    %add3A_31 = arith.constant 65535 : i32
    %add3A_32 = arith.addi %add3A_31, %reduce_sum3A_28 : i32
    %jit3A_33 = arith.constant 65536 : i32
    %select_n3A_34 = arith.select %lt3A_29, %add3A_32, %jit3A_33 : i32
    %convert_element_type3A = arith.sitofp %select_n3A_30 : i32 to f32
    %convert_element_type3A_35 = arith.sitofp %select_n3A_34 : i32 to f32
    %div3A = arith.divf %convert_element_type3A, %convert_element_type3A_35 : f32
    %div3A_36 = arith.constant 1.000000e+00 : f32
    %div3A_37 = arith.divf %div3A_36, %div3A : f32
    %broadcast_in_dim3A_38 = vector.broadcast %div3A_37 : f32 to vector<8x128xf32>
    %log3A = math.log %broadcast_in_dim3A_38 : vector<8x128xf32>
    %slice3A = vector.extract_strided_slice %log3A {offsets = [0, 0], sizes = [1, 1], strides = [1, 1]} : vector<8x128xf32> to vector<1x1xf32>
    %squeeze3A = vector.extract %slice3A[0, 0] : f32 from vector<1x1xf32>
    %swap3A = arith.constant 0 : index
    %swap3A_39 = arith.constant 0 : index
    %swap3A_40 = memref.load %arg3[%swap3A, %swap3A_39] : memref<1x1xf32, #tpu.memory_space<smem>>
    memref.store %squeeze3A, %arg3[%swap3A, %swap3A_39] : memref<1x1xf32, #tpu.memory_space<smem>>
    return
  }
}

</mosaic_0001>

<sc_bundles>
// kernel: kernel.5.cloned.1.call-start
scs
__scs_entry_jumppad:
0x0: {  	(pc) =	sbr.rel $0x88, $3  }
0x1: {  	(tag) =	ssettag $0x0;
	lr =	simm.s32 $0x1  }
0x2: {  	[smem:$0x3F9E] =	sst lr;
	_ =	strace $0xD0000000  }
0x3: {  	_ = 	snop  }
0x4: {  	_ = 	snop  }
0x5: {  	_ = 	snop  }
0x6: {  	_ = 	snop  }
0x7: {  	_ = 	snop  }
__scs_overlays_trampoline_lowered:
0x8: {  	[smem:$0x3FAD] =	sst s0  }
0x9: {  	[smem:$0x3FAE] =	sst s1  }
0xa: {  	[smem:$0x3FAF] =	sst s2  }
0xb: {  	[smem:$0x3FB0] =	sst s3  }
0xc: {  	[smem:$0x3FB1] =	sst s4  }
0xd: {  	[smem:$0x3FB2] =	sst s5  }
0xe: {  	[smem:$0x3FB3] =	sst s6  }
0xf: {  	[smem:$0x3FB4] =	sst s7  }
0x10: {  	[smem:$0x3FB5] =	sst s8  }
0x11: {  	[smem:$0x3FB6] =	sst s9;
	s0 =	simm.s32 @!p0 $0x0  }
0x12: {  	s1 =	sld [smem:$0x3F9C];
	s0 =	simm.s32 @p0 $0x1  }
0x13: {  	[smem:$0x3FB7] =	sst s0;
	s0 =	simm.s32 @!p1 $0x0  }
0x14: {  	s2 =	sld [smem:$0x3F9B];
	s0 =	simm.s32 @p1 $0x1  }
0x15: {  	[smem:$0x3FB8] =	sst s0;
	s0 =	simm.s32 @!p2 $0x0  }
0x16: {  	s3 =	sld [smem:$0x3FDB];
	s0 =	simm.s32 @p2 $0x1  }
0x17: {  	s4 =	simm.s32 $0x1BF5;
	[smem:$0x3FBA] =	sst s0  }
0x18: {  	s0 =	sld [smem:$0x3F9D];
	_ =	swait.ge [sflag:s4], $0x0  }
0x19: {  	s7 =	sld [smem:$0x3F9E]  }
0x1a: {  	s8 =	sadd.s32 $0xFFFFE003, lr  }
0x1b: {  	s9 =	sadd.s32 $0xFFFFFEF7, lr;
	s5 =	simm.s32 $0xFFFFFFFF;
	p2 =	slt.u32 s8, $0xFFFFF086  }
0x1c: {  	p1 =	slt.u32 s9, $0xF7A;
	s5 =	simm.s32 @!p2 $0x0  }
0x1d: {  	s5 =	simm.s32 @p1 $0x1;
	p0 =	seq.s32 s7, s2  }
0x1e: {  	s7 =	smul.u32 @!p0 $0xF7A, s2;
	p2 =	seq.s32 @!p0 s5, $0x0  }
0x1f: {  	s9 =	smul.u32 $0xF7A, s1;
	s8 =	simm.s32 @!p0 $0x1BF5;
	p2 =	por !p2, p0  }
0x20: {  	[sflag:s8] =	ssyncset.s32 @!p0 $0xFFFFF086;
	s6 =	sadd.s32 @!p0 s3, s7;
	s7 =	simm.s32 @!p0 $0x108  }
0x21: {  	s3 =	sadd.s32 s3, s9;
	s6 =	sadd.s32 @!p0 $0x88, s6;
	s7 =	simm.s32 @p2 $0x1082  }
0x22: {  	[simem:s7], [sflag:s8] =	dma.local @!p0 [hbm:s6], $0xF7A  }
0x23: {  	s9 =	sor.u32 $0xD0000000, s2;
	s6 =	simm.s32 $0x108;
	_ =	swait.ge @!p0 [sflag:s8], $0x0  }
0x24: {  	s3 =	sadd.s32 $0x88, s3;
	s6 =	simm.s32 @!p1 $0x1082;
	[sflag:s4] =	ssyncset.s32 $0xFFFFF086  }
0x25: {  	[simem:s6], [sflag:s4] =	dma.local [hbm:s3], $0xF7A  }
0x26: {  	[smem:$0x3F9E] =	sst s1;
	(tag) =	ssettag s2;
	_ =	strace s9  }
0x27: {  	s1 =	sld [smem:$0x3FAE]  }
0x28: {  	s2 =	sld [smem:$0x3FAF]  }
0x29: {  	s4 =	sld [smem:$0x3FB1]  }
0x2a: {  	p0 =	seq.s32 s5, $0x0;
	s5 =	sld [smem:$0x3FB2]  }
0x2b: {  	s6 =	sld [smem:$0x3FB3]  }
0x2c: {  	s7 =	sld [smem:$0x3FB4]  }
0x2d: {  	s3 =	simm.s32 $0x108;
	s8 =	sld [smem:$0x3FB5]  }
0x2e: {  	s3 =	simm.s32 @!p0 $0x1082;
	s9 =	sld [smem:$0x3FB6]  }
0x2f: {  	lr =	sadd.s32 s0, s3;
	s0 =	sld [smem:$0x3FAD]  }
0x30: {  	s3 =	sld [smem:$0x3FB0]  }
0x31: {  	[smem:$0x3FB9] =	sst s10  }
0x32: {  	s10 =	sld [smem:$0x3FB7];
	_ =	sdelay $0x3  }
0x33: {  	p0 =	seq.s32 s10, $0x1;
	s10 =	sld [smem:$0x3FB9];
	_ =	sdelay $0x3  }
0x34: {  	[smem:$0x3FB9] =	sst s10  }
0x35: {  	s10 =	sld [smem:$0x3FB8];
	_ =	sdelay $0x3  }
0x36: {  	p1 =	seq.s32 s10, $0x1;
	s10 =	sld [smem:$0x3FB9];
	_ =	sdelay $0x3  }
0x37: {  	[smem:$0x3FB9] =	sst s10  }
0x38: {  	s10 =	sld [smem:$0x3FBA]  }
0x39: {  	_ = 	snop;
	(pc) =	sbr.ind lr, $3  }
0x3a: {  	_ = 	snop  }
0x3b: {  	_ = 	snop  }
0x3c: {  	p2 =	seq.s32 s10, $0x1;
	s10 =	sld [smem:$0x3FB9]  }
0x3d: {  	_ =	shalt  }
0x3e: {  	_ =	shalt  }
0x3f: {  	_ =	shalt  }
0x40: {  	_ =	shalt  }
0x41: {  	_ =	shalt  }
0x42: {  	_ =	shalt  }
0x43: {  	_ =	shalt  }
0x44: {  	_ =	shalt  }
0x45: {  	_ =	shalt  }
0x46: {  	_ =	shalt  }
0x47: {  	_ =	shalt  }
0x48: {  	_ =	shalt  }
0x49: {  	_ =	shalt  }
0x4a: {  	_ =	shalt  }
0x4b: {  	_ =	shalt  }
0x4c: {  	_ =	shalt  }
0x4d: {  	_ =	shalt  }
0x4e: {  	_ =	shalt  }
0x4f: {  	_ =	shalt  }
0x50: {  	_ =	shalt  }
0x51: {  	_ =	shalt  }
0x52: {  	_ =	shalt  }
0x53: {  	_ =	shalt  }
0x54: {  	_ =	shalt  }
0x55: {  	_ =	shalt  }
0x56: {  	_ =	shalt  }
0x57: {  	_ =	shalt  }
0x58: {  	_ =	shalt  }
0x59: {  	_ =	shalt  }
0x5a: {  	_ =	shalt  }
0x5b: {  	_ =	shalt  }
0x5c: {  	_ =	shalt  }
0x5d: {  	_ =	shalt  }
0x5e: {  	_ =	shalt  }
0x5f: {  	_ =	shalt  }
0x60: {  	_ =	shalt  }
0x61: {  	_ =	shalt  }
0x62: {  	_ =	shalt  }
0x63: {  	_ =	shalt  }
0x64: {  	_ =	shalt  }
0x65: {  	_ =	shalt  }
0x66: {  	_ =	shalt  }
0x67: {  	_ =	shalt  }
0x68: {  	_ =	shalt  }
0x69: {  	_ =	shalt  }
0x6a: {  	_ =	shalt  }
0x6b: {  	_ =	shalt  }
0x6c: {  	_ =	shalt  }
0x6d: {  	_ =	shalt  }
0x6e: {  	_ =	shalt  }
0x6f: {  	_ =	shalt  }
0x70: {  	_ =	shalt  }
0x71: {  	_ =	shalt  }
0x72: {  	_ =	shalt  }
0x73: {  	_ =	shalt  }
0x74: {  	_ =	shalt  }
0x75: {  	_ =	shalt  }
0x76: {  	_ =	shalt  }
0x77: {  	_ =	shalt  }
0x78: {  	_ =	shalt  }
0x79: {  	_ =	shalt  }
0x7a: {  	_ =	shalt  }
0x7b: {  	_ =	shalt  }
0x7c: {  	_ =	shalt  }
0x7d: {  	_ =	shalt  }
0x7e: {  	_ =	shalt  }
0x7f: {  	_ =	shalt  }
0x80: {  	_ =	shalt  }
0x81: {  	_ =	shalt  }
0x82: {  	_ =	shalt  }
0x83: {  	_ =	shalt  }
0x84: {  	_ =	shalt  }
0x85: {  	_ =	shalt  }
0x86: {  	_ =	shalt  }
0x87: {  	_ =	shalt  }
.Lfunc_end0:
.L_simem_size_0:
called_computation_lowered:
.L_overlay_start_0:
0x88: {  	s2 =	sld [smem:$0x3FD9]  }
0x89: {  	s3 =	sld [smem:$0x3FFE];
	_ =	sdelay $0x1  }
0x8a: {  	s1 =	srdreg.scid  }
0x8b: {  	s0 =	sand.u32 $0x1, s1  }
0x8c: {  	s17 =	sshll.u32 s0, $0xA;
	s2 =	sadd.s32 s3, s2  }
0x8d: {  	s2 =	sadd.s32 s2, s17  }
0x8e: {  	[smem:$0x3FC5] =	sst s2  }
0x8f: {  	_ = 	snop  }
0x90: {  	s2 =	sld [smem:$0x3FC8]  }
0x91: {  	s18 =	sld [smem:$0x3FC7];
	(tm) =	ssettm $0x1  }
0x92: {  	s4 =	sld [smem:$0x3FFB];
	_ =	sdelay $0x3  }
0x93: {  	_ =	strace s4  }
0x94: {  	s4 =	sld [smem:$0x3FFC];
	_ =	sdelay $0x3  }
0x95: {  	_ =	strace s4  }
0x96: {  	s4 =	sld [smem:$0x3FFD];
	_ =	sdelay $0x3  }
0x97: {  	_ =	strace s4  }
0x98: {  	_ =	strace $0x8FFFFFFF  }
0x99: {  	s19 =	sld [smem:$0x3FDB];
	_ =	sdelay $0x1  }
0x9a: {  	s5 =	simm.s32 $_scs_section_size  }
0x9b: {  	s6 =	simm.s32 $_size__tile_overlayer_lowered;
	s7 =	simm.s32 $_tile_overlayer_lowered  }
0x9c: {  	s22 =	simm.s32 $0x1BFF;
	s21 =	sshll.u32 s7, $0x1;
	s4 =	sadd.s32 s5, s19  }
0x9d: {  	s8 =	simm.s32 $0x0;
	s20 =	sshll.u32 s6, $0x1;
	s6 =	sadd.s32 s21, s4  }
0x9e: {  	[timem:s8], [sflag:s22] =	dma.local [hbm:s6], s20  }
0x9f: {  	_ =	swait.ge [sflag:s22], s20  }
0xa0: {  	s5 =	ssub.s32 $0x0, s20;
	[sflag:s22] =	ssyncset.done $0x0  }
0xa1: {  	[sflag:s22] =	ssyncadd.s32 s5;
	_ =	sdelay $0x1  }
0xa2: {  	s23 =	simm.s32 $0x1B8B  }
0xa3: {  	_ =	swait.ge [sflag:s23], $0x1  }
0xa4: {  	[sflag:s23] =	ssyncset.done $0x0  }
0xa5: {  	s25 =	simm.s32 $0x1B8E;
	s24 =	sld [smem:$0x3FFE];
	[sflag:s23] =	ssyncadd.s32 $0xFFFFFFFF  }
0xa6: {  	s26 =	simm.s32 $execute0_lowered;
	[smem:$0x3FD2] =	sst s25  }
0xa7: {  	s6 =	sshll.u32 s26, $0x1;
	_ =	strace $0x80000046;
	[dreg:$0x1] =	wrdreg $0xFFFFFFFF  }
0xa8: {  	s28 =	simm.s32 $_size_execute0_lowered;
	s4 =	sadd.s32 s4, s6;
	[dreg:$0x0] =	wrdreg $0x0  }
0xa9: {  	s6 =	sshll.u32 s28, $0x1;
	[dreg:$0x2] =	wrdreg s4  }
0xaa: {  	[dreg:$0x3] =	wrdreg s6  }
0xab: {  	[dreg:$0x4] =	wrdreg $0xC0  }
0xac: {  	_ =	task [dreg:s8], $0x5FFFF  }
0xad: {  	[dreg:$0x1] =	wrdreg $0xFFFFFFFF  }
0xae: {  	[dreg:$0x0] =	wrdreg $0x60  }
0xaf: {  	[dreg:$0x2] =	wrdreg s2  }
0xb0: {  	[dreg:$0x3] =	wrdreg s18  }
0xb1: {  	[dreg:$0x4] =	wrdreg s24  }
0xb2: {  	[dreg:$0x5] =	wrdreg $0x9  }
0xb3: {  	_ =	task.clear_ibuf [dreg:s8], $0x6FFFF;
	_ =	strace $0x90000046  }
0xb4: {  	s29 =	simm.s32 $0x9;
	_ =	strace $0x80000048  }
0xb5: {  	_ =	swait.ge [sflag:s29], $0x1  }
0xb6: {  	[sflag:s29] =	ssyncadd.s32 $0xFFFFFFFF  }
0xb7: {  	_ =	strace $0x90000048  }
0xb8: {  	_ =	sfence  }
0xb9: {  	s30 =	sld [smem:$0x0];
	_ =	sdelay $0x2  }
0xba: {  	s31 =	sshll.u32 s1, $0xD;
	s1 =	sshrl.u32 s1, $0x2  }
0xbb: {  	s3 =	sand.u32 $0x4000, s31;
	s1 =	sadd.s32 s1, s30  }
0xbc: {  	s0 =	sor.u32 s3, s0;
	s1 =	sshll.u32 s1, $0x11  }
0xbd: {  	s0 =	sor.u32 s1, s0  }
0xbe: {  	s0 =	sadd.s32 $0x8F2B, s0  }
0xbf: {  	[sflag:s0] =	ssyncadd.remote.s32 $0x1  }
0xc0: {  	_ =	sfence.sel $0xFFFF  }
0xc1: {  	[dreg:$0x0] =	wrdreg $0xFFFFFFFF;
	(pc) =	sbr.abs _section_cstart, $3  }
0xc2: {  	[dreg:$0x1] =	wrdreg $0xFFFFFFFF  }
0xc3: {  	_ =	task.clear_ibuf [dreg:s8], $0x2FFFF;
	_ =	strace $0x9FFFFFFF  }
0xc4: {  	(tm) =	ssettm $0x7FFFFFFF  }
0xc5: {  	_ =	shalt  }
tec
execute0_lowered:
.L_overlay_start_1:
0x0: {  	(tag) =	ssettag $0x1  }
0x1: {  	s1 =	rddreg [dreg:$0x0]  }
0x2: {  	s3 =	rddreg [dreg:$0x1]  }
0x3: {  	s5 =	rddreg [dreg:$0x2]  }
0x4: {  	s0 =	rddreg [dreg:$0x3];
	s6 =	srdreg.scid  }
0x5: {  	s2 =	stileid.u32;
	s4 =	simm.s32 $0x0;
	s11 =	simm.s32 $0x10000  }
0x6: {  	s12 =	simm.s32 $0x5;
	s13 =	simm.s32 $0x10080;
	s14 =	simm.s32 $0x4000  }
0x7: {  	s15 =	simm.s32 $0x8000;
	s16 =	simm.s32 $0xC000;
	s17 =	simm.s32 $0x1  }
0x8: {  	s18 =	simm.s32 $0x2;
	s19 =	simm.s32 $0x3;
	s20 =	simm.s32 $0x4  }
0x9: {  	s21 =	simm.s32 $0x10100;
	s6 =	sand.u32 $0x1, s6;
	s7 =	sshll.u32 s2, $0x1  }
0xa: {  	s22 =	simm.s32 $0x0;
	[smem:$0x7FF] =	sst s4;
	s7 =	sor.u32 s6, s7  }
0xb: {  	_ =	strace $0x80000047;
	s6 =	ssub.s32 $0x2, s6;
	s8 =	sshll.u32 s7, $0x4  }
0xc: {  	s29 =	sshrl.u32 s6, $0x1;
	s7 =	sshll.u32 s7, $0xC;
	s9 =	sadd.s32 s8, s5  }
0xd: {  	s10 =	ssub.s32 s6, s29;
	s30 =	sor.u32 $0x20000, s7;
	s31 =	sor.u32 $0x20800, s7  }
0xe: {  	s5 =	sadd.s32 s1, s30;
	s6 =	sadd.s32 s3, s30;
	s7 =	sadd.s32 s1, s31  }
0xf: {  	v0 =	vimm.s32 $0x0;
	s8 =	sadd.s32 s3, s31;
	s9 =	sadd.s32 $0xC00, s9;
	s10 =	smax.u32 s10, $0x1  }
.LBB2_1:
0x10: {  	[tilespmem:s11], [sflag:$0x5] =	stream.linear.gather [hbm4b:s1+s4], $0x10, $0x38;
	[tilespmem:$0x10180] =	vst v63  }
0x11: {  	_ =	swait.ge [sflag:s12], $0x10  }
0x12: {  	[sflag:s12] =	ssyncset.done $0x0  }
0x13: {  	[sflag:s12] =	ssyncadd.s32 $0xFFFFFFF0  }
0x14: {  	[tilespmem:s13], [sflag:$0x5] =	stream.linear.gather [hbm4b:s3+s4], $0x10, $0x38;
	[tilespmem:$0x10180] =	vst v63  }
0x15: {  	_ =	swait.ge [sflag:s12], $0x10  }
0x16: {  	[sflag:s12] =	ssyncset.done $0x0  }
0x17: {  	[sflag:s12] =	ssyncadd.s32 $0xFFFFFFF0  }
0x18: {  	v1 =	vld [tilespmem:$0x10000]  }
0x19: {  	v2 =	vld [tilespmem:$0x10080];
	_ =	sdelay $0x4  }
0x1a: {  	v1 =	vsub.f32 v1, v2;
	_ =	sdelay $0x1  }
0x1b: {  	v1 =	vmul.f32 v1, v1;
	_ =	sdelay $0x1  }
0x1c: {  	v1 =	vsub.f32 $0.0e+00, v1;
	_ =	sdelay $0x1  }
0x1d: {  	v1 =	vmul.f32 $1.442695020e+00, v1;
	_ =	sdelay $0x1  }
0x1e: {  	(erf) = vpow2.f32 v1;
	_ =	sdelay $0x8  }
0x1f: {  	v1 =	vpop (erf)  }
0x20: {  	[tilespmem:$0x10000] =	vst v1;
	v1 =	vimm.s32 $0x7F800000  }
0x21: {  	s23 =	simm.s32 $0x1F;
	v2 =	vimm.s32 $0x0;
	v5 =	vld.msk [tilespmem:s11+$0x0], $0xffff;
	v3 =	vsub.s32 v1, v0  }
.LBB2_2:
0x22: {  	p0 =	sne.s32 s23, $0x1;
	v4 =	vshrl.u32 v3, $0x1F  }
0x23: {  	v3 =	vadd.s32 v4, v3  }
0x24: {  	v3 =	vshra.s32 v3, $0x1  }
0x25: {  	v3 =	vadd.s32 v2, v3  }
0x26: {  	v4 =	vsub.f32 $0.0e+00, v3;
	_ =	sdelay $0x1  }
0x27: {  	v4 =	vmul.f32 $1.442695020e+00, v4;
	_ =	sdelay $0x1  }
0x28: {  	(erf) = vpow2.f32 v4;
	_ =	sdelay $0x7  }
.Ltmp0:
0x29: {  	(pc) =	sbr.rel @p0 .LBB2_2-.Ltmp0, $4  }
0x2a: {  	v4 =	vpop (erf)  }
0x2b: {  	vm0 =	vle.f32 v4, v5;
	v4 =	vadd.s32 $0x1, v3  }
0x2c: {  	v2 =	vsel vm0, v2, v4;
	v1 =	vsel vm0, v3, v1  }
0x2d: {  	s23 =	sadd.s32 $0xFFFFFFFF, s23;
	v3 =	vsub.s32 v1, v2  }
0x2e: {  	v4 =	vshrl.u32 v3, $0x1F  }
0x2f: {  	v3 =	vadd.s32 v4, v3  }
0x30: {  	v3 =	vshra.s32 v3, $0x1  }
0x31: {  	v16 =	vadd.s32 v2, v3  }
0x32: {  	v2 =	vsub.f32 $0.0e+00, v16;
	_ =	sdelay $0x1  }
0x33: {  	v2 =	vmul.f32 $1.442695020e+00, v2;
	_ =	sdelay $0x1  }
0x34: {  	(erf) = vpow2.f32 v2;
	_ =	sdelay $0x1  }
0x35: {  	s23 =	simm.s32 $0x0  }
0x36: {  	[tilespmem:s23], [sflag:$0x1] =	stream.linear.gather [hbm4b:s5+s23], $0x4000, $0x38;
	[tilespmem:$0x10180] =	vst v63  }
0x37: {  	_ = 	snop  }
0x38: {  	[tilespmem:s14], [sflag:$0x2] =	stream.linear.gather [hbm4b:s6+s23], $0x4000, $0x38;
	[tilespmem:$0x10180] =	vst v63  }
0x39: {  	_ = 	snop  }
0x3a: {  	[tilespmem:s15], [sflag:$0x3] =	stream.linear.gather [hbm4b:s7+s23], $0x4000, $0x38;
	[tilespmem:$0x10180] =	vst v63  }
0x3b: {  	_ = 	snop  }
0x3c: {  	[tilespmem:s16], [sflag:$0x4] =	stream.linear.gather [hbm4b:s8+s23], $0x4000, $0x38;
	v12 =	vpop (erf);
	[tilespmem:$0x10180] =	vst v63  }
0x3d: {  	_ =	swait.ge [sflag:s17], $0x4000  }
0x3e: {  	[sflag:s17] =	ssyncset.done $0x0  }
0x3f: {  	[sflag:s17] =	ssyncadd.s32 $0xFFFFC000  }
0x40: {  	_ =	swait.ge [sflag:s18], $0x4000  }
0x41: {  	[sflag:s18] =	ssyncset.done $0x0  }
0x42: {  	s23 =	simm.s32 $0x0;
	[sflag:s18] =	ssyncadd.s32 $0xFFFFC000  }
0x43: {  	v22 =	vld [tilespmem:s23+$0xF0]  }
0x44: {  	v23 =	vld [tilespmem:s23+$0x40F0]  }
0x45: {  	v24 =	vld [tilespmem:s23+$0xE0]  }
0x46: {  	v25 =	vld [tilespmem:s23+$0x40E0]  }
0x47: {  	v26 =	vld [tilespmem:s23+$0xD0]  }
0x48: {  	v27 =	vld [tilespmem:s23+$0x40D0]  }
0x49: {  	v28 =	vld [tilespmem:s23+$0xC0]  }
0x4a: {  	v29 =	vld [tilespmem:s23+$0x40C0]  }
0x4b: {  	v2 =	vld [tilespmem:s23+$0xB0]  }
0x4c: {  	v3 =	vld [tilespmem:s23+$0x40B0]  }
0x4d: {  	v4 =	vld [tilespmem:s23+$0xA0]  }
0x4e: {  	v7 =	vld [tilespmem:s23+$0x40A0]  }
0x4f: {  	v6 =	vld [tilespmem:s23+$0x90]  }
0x50: {  	v9 =	vld [tilespmem:s23+$0x4090]  }
0x51: {  	v10 =	vld [tilespmem:s23+$0x80]  }
0x52: {  	v13 =	vld [tilespmem:s23+$0x4080]  }
0x53: {  	v11 =	vld [tilespmem:s23+$0x70]  }
0x54: {  	v14 =	vld [tilespmem:s23+$0x4070]  }
0x55: {  	v15 =	vld [tilespmem:s23+$0x60]  }
0x56: {  	v19 =	vld [tilespmem:s23+$0x4060]  }
0x57: {  	v17 =	vld [tilespmem:s23+$0x50]  }
0x58: {  	v20 =	vld [tilespmem:s23+$0x4050]  }
0x59: {  	v18 =	vld [tilespmem:s23+$0x40]  }
0x5a: {  	v21 =	vld [tilespmem:s23+$0x4040]  }
0x5b: {  	v8 =	vld [tilespmem:s23+$0x30]  }
0x5c: {  	vm0 =	vle.f32 v12, v5;
	v12 =	vld [tilespmem:s23+$0x20]  }
0x5d: {  	v1 =	vsel vm0, v16, v1;
	v16 =	vld [tilespmem:s23+$0x10];
	v24 =	vsub.f32 v24, v25;
	v25 =	vsub.f32 v22, v23  }
0x5e: {  	s24 =	simm.s32 $0x400;
	v5 =	vimm.s32 $0x0;
	v22 =	vld [tilespmem:s23+$0x0];
	v23 =	vsub.f32 v28, v29;
	v26 =	vsub.f32 v26, v27  }
.LBB2_4:
0x5f: {  	p0 =	sne.s32 s24, $0xFC00;
	v27 =	vld [tilespmem:s23+$0x4000];
	v4 =	vsub.f32 v4, v7;
	v2 =	vsub.f32 v2, v3  }
0x60: {  	v7 =	vsub.f32 v10, v13;
	v6 =	vsub.f32 v6, v9;
	v3 =	vld [tilespmem:s23+$0x4010]  }
0x61: {  	v10 =	vsub.f32 v15, v19;
	v11 =	vsub.f32 v11, v14;
	v25 =	vmul.f32 v25, v25;
	v9 =	vld [tilespmem:s23+$0x4020]  }
0x62: {  	v14 =	vsub.f32 v17, v20;
	v20 =	vmul.f32 v24, v24;
	v17 =	vmul.f32 v26, v26;
	v13 =	vld [tilespmem:s23+$0x4030];
	s23 =	sshra.s32 s24, $0x2  }
0x63: {  	v15 =	vsub.f32 v18, v21;
	v19 =	vmul.f32 v23, v23;
	v18 =	vmul.f32 v2, v2;
	v26 =	vld [tilespmem:s23+$0xF0]  }
0x64: {  	v21 =	vmul.f32 v6, v6;
	v23 =	vld [tilespmem:s23+$0x40F0];
	v2 =	vsub.f32 v22, v27;
	v22 =	vmul.f32 v4, v4  }
0x65: {  	v11 =	vmul.f32 v11, v11;
	v24 =	vld [tilespmem:s23+$0xE0];
	v3 =	vsub.f32 v16, v3;
	v16 =	vmul.f32 v7, v7  }
0x66: {  	v6 =	vmul.f32 v10, v10;
	v27 =	vld [tilespmem:s23+$0x40E0];
	v2 =	vmul.f32 v2, v2;
	v4 =	vsub.f32 v12, v9  }
0x67: {  	v28 =	vld [tilespmem:s23+$0xD0];
	v3 =	vmul.f32 v3, v3;
	v7 =	vsub.f32 v8, v13;
	v8 =	vmul.f32 v14, v14  }
0x68: {  	v29 =	vld [tilespmem:s23+$0x40D0];
	vm0 =	vlt.f32 v2, v1;
	v2 =	vmul.f32 v4, v4;
	v4 =	vmul.f32 v15, v15  }
0x69: {  	v30 =	vld [tilespmem:s23+$0xC0];
	v9 =	vsel vm0, $0x1, v0;
	vm0 =	vlt.f32 v3, v1;
	v3 =	vmul.f32 v7, v7  }
0x6a: {  	v31 =	vld [tilespmem:s23+$0x40C0];
	v5 =	vadd.s32 v9, v5;
	v7 =	vsel vm0, $0x1, v0;
	vm0 =	vlt.f32 v2, v1  }
0x6b: {  	v2 =	vld [tilespmem:s23+$0xB0];
	v5 =	vadd.s32 v7, v5;
	v7 =	vsel vm0, $0x1, v0;
	vm0 =	vlt.f32 v3, v1  }
0x6c: {  	v3 =	vld [tilespmem:s23+$0x40B0];
	v5 =	vadd.s32 v7, v5;
	v7 =	vsel vm0, $0x1, v0;
	vm0 =	vlt.f32 v4, v1  }
0x6d: {  	v4 =	vld [tilespmem:s23+$0xA0];
	v5 =	vadd.s32 v7, v5;
	v9 =	vsel vm0, $0x1, v0;
	vm0 =	vlt.f32 v8, v1  }
0x6e: {  	v7 =	vld [tilespmem:s23+$0x40A0];
	v5 =	vadd.s32 v9, v5;
	v8 =	vsel vm0, $0x1, v0;
	vm0 =	vlt.f32 v6, v1  }
0x6f: {  	v6 =	vld [tilespmem:s23+$0x90];
	v5 =	vadd.s32 v8, v5;
	v8 =	vsel vm0, $0x1, v0;
	vm0 =	vlt.f32 v11, v1  }
0x70: {  	v9 =	vld [tilespmem:s23+$0x4090];
	v5 =	vadd.s32 v8, v5;
	v8 =	vsel vm0, $0x1, v0;
	vm0 =	vlt.f32 v16, v1  }
0x71: {  	v10 =	vld [tilespmem:s23+$0x80];
	v5 =	vadd.s32 v8, v5;
	v8 =	vsel vm0, $0x1, v0;
	vm0 =	vlt.f32 v21, v1  }
0x72: {  	v13 =	vld [tilespmem:s23+$0x4080];
	v5 =	vadd.s32 v8, v5;
	v8 =	vsel vm0, $0x1, v0;
	vm0 =	vlt.f32 v22, v1  }
0x73: {  	v11 =	vld [tilespmem:s23+$0x70];
	v5 =	vadd.s32 v8, v5;
	v8 =	vsel vm0, $0x1, v0;
	vm0 =	vlt.f32 v18, v1  }
0x74: {  	v14 =	vld [tilespmem:s23+$0x4070];
	v5 =	vadd.s32 v8, v5;
	v8 =	vsel vm0, $0x1, v0;
	vm0 =	vlt.f32 v19, v1  }
0x75: {  	v15 =	vld [tilespmem:s23+$0x60];
	v5 =	vadd.s32 v8, v5;
	v8 =	vsel vm0, $0x1, v0;
	vm0 =	vlt.f32 v17, v1  }
0x76: {  	v19 =	vld [tilespmem:s23+$0x4060];
	v5 =	vadd.s32 v8, v5;
	v8 =	vsel vm0, $0x1, v0;
	vm0 =	vlt.f32 v20, v1  }
0x77: {  	v17 =	vld [tilespmem:s23+$0x50];
	v5 =	vadd.s32 v8, v5;
	v8 =	vsel vm0, $0x1, v0;
	vm0 =	vlt.f32 v25, v1  }
0x78: {  	v20 =	vld [tilespmem:s23+$0x4050];
	v5 =	vadd.s32 v8, v5;
	v8 =	vsel vm0, $0x1, v0  }
0x79: {  	v18 =	vld [tilespmem:s23+$0x40];
	v5 =	vadd.s32 v8, v5  }
.Ltmp1:
0x7a: {  	v21 =	vld [tilespmem:s23+$0x4040];
	(pc) =	sbr.rel @p0 .LBB2_4-.Ltmp1, $4  }
0x7b: {  	v8 =	vld [tilespmem:s23+$0x30]  }
0x7c: {  	v12 =	vld [tilespmem:s23+$0x20]  }
0x7d: {  	v24 =	vsub.f32 v24, v27;
	v25 =	vsub.f32 v26, v23;
	v16 =	vld [tilespmem:s23+$0x10]  }
0x7e: {  	s24 =	sadd.s32 $0x400, s24;
	v23 =	vsub.f32 v30, v31;
	v26 =	vsub.f32 v28, v29;
	v22 =	vld [tilespmem:s23+$0x0]  }
0x7f: {  	v27 =	vld [tilespmem:s23+$0x4000]  }
0x80: {  	v28 =	vld [tilespmem:s23+$0x4010]  }
0x81: {  	v29 =	vld [tilespmem:s23+$0x4020]  }
0x82: {  	v30 =	vld [tilespmem:s23+$0x4030];
	_ =	swait.ge [sflag:s19], $0x4000  }
0x83: {  	[sflag:s19] =	ssyncset.done $0x0  }
0x84: {  	[sflag:s19] =	ssyncadd.s32 $0xFFFFC000  }
0x85: {  	_ =	swait.ge [sflag:s20], $0x4000  }
0x86: {  	v4 =	vsub.f32 v4, v7;
	v2 =	vsub.f32 v2, v3;
	[sflag:s20] =	ssyncset.done $0x0  }
0x87: {  	s23 =	simm.s32 $0x0;
	v3 =	vsub.f32 v10, v13;
	v6 =	vsub.f32 v6, v9;
	[sflag:s20] =	ssyncadd.s32 $0xFFFFC000  }
0x88: {  	v7 =	vsub.f32 v15, v19;
	v10 =	vsub.f32 v11, v14;
	v31 =	vld [tilespmem:s23+$0x80F0]  }
0x89: {  	v11 =	vsub.f32 v17, v20;
	v20 =	vmul.f32 v24, v24;
	v13 =	vmul.f32 v26, v26;
	v9 =	vld [tilespmem:s23+$0xC0F0]  }
0x8a: {  	v14 =	vsub.f32 v18, v21;
	v18 =	vmul.f32 v23, v23;
	v15 =	vmul.f32 v2, v2;
	v32 =	vld [tilespmem:s23+$0x80E0]  }
0x8b: {  	v17 =	vmul.f32 v6, v6;
	v19 =	vmul.f32 v4, v4;
	v24 =	vld [tilespmem:s23+$0xC0E0]  }
0x8c: {  	v21 =	vmul.f32 v3, v3;
	vm12 =	vlt.f32 v18, v1;
	v2 =	vsub.f32 v22, v27;
	v26 =	vld [tilespmem:s23+$0x80D0]  }
0x8d: {  	v4 =	vsub.f32 v16, v28;
	v16 =	vmul.f32 v10, v10;
	v6 =	vsub.f32 v12, v29;
	v27 =	vld [tilespmem:s23+$0xC0D0]  }
0x8e: {  	v10 =	vmul.f32 v7, v7;
	v7 =	vsub.f32 v8, v30;
	v8 =	vmul.f32 v11, v11;
	v61 =	vld [tilespmem:s23+$0x80C0]  }
0x8f: {  	vm9 =	vlt.f32 v17, v1;
	v11 =	vmul.f32 v14, v14;
	v62 =	vld [tilespmem:s23+$0xC0C0];
	v3 =	vmul.f32 v2, v2  }
0x90: {  	vm11 =	vlt.f32 v15, v1;
	v17 =	vld [tilespmem:s23+$0xC060];
	v4 =	vmul.f32 v4, v4;
	v6 =	vmul.f32 v6, v6  }
0x91: {  	v15 =	vld [tilespmem:s23+$0x8050];
	v7 =	vmul.f32 v7, v7;
	vm4 =	vlt.f32 v11, v1;
	vm0 =	vlt.f32 v3, v1  }
0x92: {  	v18 =	vld [tilespmem:s23+$0xC050];
	vm5 =	vlt.f32 v8, v1;
	vm13 =	vlt.f32 v4, v1;
	v12 =	vsel vm0, $0x1, v0  }
0x93: {  	v2 =	vld [tilespmem:s23+$0x80B0];
	vm14 =	vlt.f32 v6, v1;
	v14 =	vsel vm13, $0x1, v0;
	v12 =	vadd.s32 v12, v5  }
0x94: {  	v8 =	vld [tilespmem:s23+$0x8080];
	vm15 =	vlt.f32 v7, v1;
	v12 =	vadd.s32 v14, v12;
	v14 =	vsel vm14, $0x1, v0  }
0x95: {  	vm6 =	vlt.f32 v10, v1;
	v10 =	vld [tilespmem:s23+$0xC080];
	v12 =	vadd.s32 v14, v12;
	v14 =	vsel vm15, $0x1, v0  }
0x96: {  	v3 =	vld [tilespmem:s23+$0xC0B0];
	v11 =	vadd.s32 v14, v12;
	v12 =	vsel vm4, $0x1, v0  }
0x97: {  	v4 =	vld [tilespmem:s23+$0x80A0];
	v11 =	vadd.s32 v12, v11;
	v12 =	vsel vm5, $0x1, v0  }
0x98: {  	vm7 =	vlt.f32 v16, v1;
	v6 =	vld [tilespmem:s23+$0x8090];
	v14 =	vsel vm6, $0x1, v0;
	v12 =	vadd.s32 v12, v11  }
0x99: {  	vm8 =	vlt.f32 v21, v1;
	v16 =	vsel vm7, $0x1, v0;
	v7 =	vld [tilespmem:s23+$0xC090];
	v14 =	vadd.s32 v14, v12  }
0x9a: {  	v21 =	vsel vm8, $0x1, v0;
	v5 =	vld [tilespmem:s23+$0xC0A0];
	v16 =	vadd.s32 v16, v14  }
0x9b: {  	vm10 =	vlt.f32 v19, v1;
	v11 =	vld [tilespmem:s23+$0x8070];
	v16 =	vadd.s32 v21, v16;
	v21 =	vsel vm9, $0x1, v0  }
0x9c: {  	v19 =	vsel vm10, $0x1, v0;
	v12 =	vld [tilespmem:s23+$0xC070];
	v16 =	vadd.s32 v21, v16  }
0x9d: {  	v25 =	vmul.f32 v25, v25;
	v14 =	vld [tilespmem:s23+$0x8060];
	v16 =	vadd.s32 v19, v16;
	v19 =	vsel vm11, $0x1, v0  }
0x9e: {  	vm13 =	vlt.f32 v13, v1;
	v21 =	vsel vm12, $0x1, v0;
	v16 =	vadd.s32 v19, v16;
	v19 =	vld [tilespmem:s23+$0x8040]  }
0x9f: {  	vm14 =	vlt.f32 v20, v1;
	v13 =	vadd.s32 v21, v16;
	v16 =	vsel vm13, $0x1, v0;
	v21 =	vld [tilespmem:s23+$0xC040]  }
0xa0: {  	v20 =	vsel vm14, $0x1, v0;
	v16 =	vadd.s32 v16, v13;
	v13 =	vld [tilespmem:s23+$0x8030]  }
0xa1: {  	vm15 =	vlt.f32 v25, v1;
	v22 =	vadd.s32 v20, v16;
	v16 =	vld [tilespmem:s23+$0x8020]  }
0xa2: {  	v23 =	vsub.f32 v32, v24;
	v24 =	vsub.f32 v61, v62;
	v63 =	vsel vm15, $0x1, v0;
	v20 =	vld [tilespmem:s23+$0x8010]  }
0xa3: {  	s24 =	simm.s32 $0x400;
	v26 =	vsub.f32 v26, v27;
	v25 =	vsub.f32 v31, v9;
	v9 =	vadd.s32 v63, v22;
	v22 =	vld [tilespmem:s23+$0x8000]  }
.LBB2_6:
0xa4: {  	p0 =	sne.s32 s24, $0xFC00;
	v27 =	vld [tilespmem:s23+$0xC000];
	v4 =	vsub.f32 v4, v5;
	v2 =	vsub.f32 v2, v3  }
0xa5: {  	v5 =	vsub.f32 v8, v10;
	v6 =	vsub.f32 v6, v7;
	v3 =	vld [tilespmem:s23+$0xC010]  }
0xa6: {  	v8 =	vsub.f32 v14, v17;
	v10 =	vsub.f32 v11, v12;
	v25 =	vmul.f32 v25, v25;
	v7 =	vld [tilespmem:s23+$0xC020]  }
0xa7: {  	v12 =	vsub.f32 v15, v18;
	v18 =	vmul.f32 v23, v23;
	v15 =	vmul.f32 v26, v26;
	v11 =	vld [tilespmem:s23+$0xC030];
	s23 =	sshra.s32 s24, $0x2  }
0xa8: {  	v14 =	vsub.f32 v19, v21;
	v19 =	vmul.f32 v24, v24;
	v17 =	vmul.f32 v2, v2;
	v26 =	vld [tilespmem:s23+$0x80F0]  }
0xa9: {  	v21 =	vmul.f32 v6, v6;
	v24 =	vld [tilespmem:s23+$0xC0F0];
	v2 =	vsub.f32 v22, v27;
	v22 =	vmul.f32 v4, v4  }
0xaa: {  	v10 =	vmul.f32 v10, v10;
	v23 =	vld [tilespmem:s23+$0x80E0];
	v3 =	vsub.f32 v20, v3;
	v20 =	vmul.f32 v5, v5  }
0xab: {  	v6 =	vmul.f32 v8, v8;
	v27 =	vld [tilespmem:s23+$0xC0E0];
	v2 =	vmul.f32 v2, v2;
	v4 =	vsub.f32 v16, v7  }
0xac: {  	v7 =	vmul.f32 v12, v12;
	v28 =	vld [tilespmem:s23+$0x80D0];
	v3 =	vmul.f32 v3, v3;
	v5 =	vsub.f32 v13, v11  }
0xad: {  	v29 =	vld [tilespmem:s23+$0xC0D0];
	vm0 =	vlt.f32 v2, v1;
	v2 =	vmul.f32 v4, v4;
	v4 =	vmul.f32 v14, v14  }
0xae: {  	v30 =	vld [tilespmem:s23+$0x80C0];
	v8 =	vsel vm0, $0x1, v0;
	vm0 =	vlt.f32 v3, v1;
	v3 =	vmul.f32 v5, v5  }
0xaf: {  	v31 =	vld [tilespmem:s23+$0xC0C0];
	v5 =	vadd.s32 v8, v9;
	v8 =	vsel vm0, $0x1, v0;
	vm0 =	vlt.f32 v2, v1  }
0xb0: {  	v2 =	vld [tilespmem:s23+$0x80B0];
	v5 =	vadd.s32 v8, v5;
	v8 =	vsel vm0, $0x1, v0;
	vm0 =	vlt.f32 v3, v1  }
0xb1: {  	v3 =	vld [tilespmem:s23+$0xC0B0];
	v5 =	vadd.s32 v8, v5;
	v8 =	vsel vm0, $0x1, v0;
	vm0 =	vlt.f32 v4, v1  }
0xb2: {  	v4 =	vld [tilespmem:s23+$0x80A0];
	v8 =	vadd.s32 v8, v5;
	v9 =	vsel vm0, $0x1, v0;
	vm0 =	vlt.f32 v7, v1  }
0xb3: {  	v5 =	vld [tilespmem:s23+$0xC0A0];
	v7 =	vadd.s32 v9, v8;
	v8 =	vsel vm0, $0x1, v0;
	vm0 =	vlt.f32 v6, v1  }
0xb4: {  	v6 =	vld [tilespmem:s23+$0x8090];
	v8 =	vadd.s32 v8, v7;
	v9 =	vsel vm0, $0x1, v0;
	vm0 =	vlt.f32 v10, v1  }
0xb5: {  	v7 =	vld [tilespmem:s23+$0xC090];
	v9 =	vadd.s32 v9, v8;
	v10 =	vsel vm0, $0x1, v0;
	vm0 =	vlt.f32 v20, v1  }
0xb6: {  	v8 =	vld [tilespmem:s23+$0x8080];
	v9 =	vadd.s32 v10, v9;
	v11 =	vsel vm0, $0x1, v0;
	vm0 =	vlt.f32 v21, v1  }
0xb7: {  	v10 =	vld [tilespmem:s23+$0xC080];
	v9 =	vadd.s32 v11, v9;
	v12 =	vsel vm0, $0x1, v0;
	vm0 =	vlt.f32 v22, v1  }
0xb8: {  	v11 =	vld [tilespmem:s23+$0x8070];
	v9 =	vadd.s32 v12, v9;
	v13 =	vsel vm0, $0x1, v0;
	vm0 =	vlt.f32 v17, v1  }
0xb9: {  	v12 =	vld [tilespmem:s23+$0xC070];
	v9 =	vadd.s32 v13, v9;
	v13 =	vsel vm0, $0x1, v0;
	vm0 =	vlt.f32 v19, v1  }
0xba: {  	v14 =	vld [tilespmem:s23+$0x8060];
	v9 =	vadd.s32 v13, v9;
	v13 =	vsel vm0, $0x1, v0;
	vm0 =	vlt.f32 v15, v1  }
0xbb: {  	v17 =	vld [tilespmem:s23+$0xC060];
	v9 =	vadd.s32 v13, v9;
	v13 =	vsel vm0, $0x1, v0;
	vm0 =	vlt.f32 v18, v1  }
0xbc: {  	v15 =	vld [tilespmem:s23+$0x8050];
	v9 =	vadd.s32 v13, v9;
	v13 =	vsel vm0, $0x1, v0;
	vm0 =	vlt.f32 v25, v1  }
0xbd: {  	v18 =	vld [tilespmem:s23+$0xC050];
	v9 =	vadd.s32 v13, v9;
	v13 =	vsel vm0, $0x1, v0  }
0xbe: {  	v19 =	vld [tilespmem:s23+$0x8040];
	v9 =	vadd.s32 v13, v9  }
.Ltmp2:
0xbf: {  	v21 =	vld [tilespmem:s23+$0xC040];
	(pc) =	sbr.rel @p0 .LBB2_6-.Ltmp2, $4  }
0xc0: {  	v13 =	vld [tilespmem:s23+$0x8030]  }
0xc1: {  	v16 =	vld [tilespmem:s23+$0x8020]  }
0xc2: {  	v23 =	vsub.f32 v23, v27;
	v25 =	vsub.f32 v26, v24;
	v20 =	vld [tilespmem:s23+$0x8010]  }
0xc3: {  	s24 =	sadd.s32 $0x400, s24;
	v24 =	vsub.f32 v30, v31;
	v26 =	vsub.f32 v28, v29;
	v22 =	vld [tilespmem:s23+$0x8000]  }
0xc4: {  	v27 =	vld [tilespmem:s23+$0xC000];
	v4 =	vsub.f32 v4, v5;
	v2 =	vsub.f32 v2, v3  }
0xc5: {  	v3 =	vld [tilespmem:s23+$0xC010];
	v39 =	vsub.f32 v8, v10;
	v6 =	vsub.f32 v6, v7  }
0xc6: {  	v40 =	vld [tilespmem:s23+$0xC020];
	v41 =	vsub.f32 v14, v17;
	v42 =	vsub.f32 v11, v12;
	v43 =	vmul.f32 v25, v25  }
0xc7: {  	v44 =	vld [tilespmem:s23+$0xC030];
	v45 =	vsub.f32 v15, v18;
	v47 =	vmul.f32 v23, v23;
	v46 =	vmul.f32 v26, v26  }
0xc8: {  	v48 =	vsub.f32 v19, v21;
	v49 =	vmul.f32 v24, v24;
	v2 =	vmul.f32 v2, v2  }
0xc9: {  	v6 =	vmul.f32 v6, v6;
	v4 =	vmul.f32 v4, v4;
	v50 =	vsub.f32 v22, v27  }
0xca: {  	v10 =	vmul.f32 v42, v42;
	v5 =	vmul.f32 v39, v39;
	v3 =	vsub.f32 v20, v3  }
0xcb: {  	v8 =	vmul.f32 v41, v41;
	v7 =	vsub.f32 v16, v40;
	v51 =	vmul.f32 v50, v50  }
0xcc: {  	v52 =	vmul.f32 v45, v45;
	v12 =	vsub.f32 v13, v44;
	v3 =	vmul.f32 v3, v3  }
0xcd: {  	v53 =	vmul.f32 v48, v48;
	v7 =	vmul.f32 v7, v7;
	vm0 =	vlt.f32 v51, v1  }
0xce: {  	vm13 =	vlt.f32 v3, v1;
	v3 =	vmul.f32 v12, v12;
	v54 =	vsel vm0, $0x1, v0  }
0xcf: {  	vm14 =	vlt.f32 v7, v1;
	v55 =	vsel vm13, $0x1, v0;
	v9 =	vadd.s32 v54, v9  }
0xd0: {  	v57 =	vsel vm14, $0x1, v0;
	vm15 =	vlt.f32 v3, v1;
	v56 =	vadd.s32 v55, v9  }
0xd1: {  	vm4 =	vlt.f32 v53, v1;
	v58 =	vsel vm15, $0x1, v0;
	v3 =	vadd.s32 v57, v56  }
0xd2: {  	vm5 =	vlt.f32 v52, v1;
	v59 =	vsel vm4, $0x1, v0;
	v3 =	vadd.s32 v58, v3  }
0xd3: {  	vm6 =	vlt.f32 v8, v1;
	v60 =	vsel vm5, $0x1, v0;
	v3 =	vadd.s32 v59, v3  }
0xd4: {  	vm7 =	vlt.f32 v10, v1;
	v61 =	vsel vm6, $0x1, v0;
	v3 =	vadd.s32 v60, v3  }
0xd5: {  	vm8 =	vlt.f32 v5, v1;
	v62 =	vsel vm7, $0x1, v0;
	v3 =	vadd.s32 v61, v3  }
0xd6: {  	vm9 =	vlt.f32 v6, v1;
	v5 =	vsel vm8, $0x1, v0;
	v3 =	vadd.s32 v62, v3  }
0xd7: {  	vm10 =	vlt.f32 v4, v1;
	v63 =	vsel vm9, $0x1, v0;
	v3 =	vadd.s32 v5, v3  }
0xd8: {  	vm11 =	vlt.f32 v2, v1;
	v4 =	vsel vm10, $0x1, v0;
	v3 =	vadd.s32 v63, v3  }
0xd9: {  	vm12 =	vlt.f32 v49, v1;
	v2 =	vadd.s32 v4, v3;
	v3 =	vsel vm11, $0x1, v0  }
0xda: {  	vm13 =	vlt.f32 v46, v1;
	v2 =	vadd.s32 v3, v2;
	v3 =	vsel vm12, $0x1, v0  }
0xdb: {  	vm14 =	vlt.f32 v47, v1;
	v2 =	vadd.s32 v3, v2;
	v3 =	vsel vm13, $0x1, v0  }
0xdc: {  	vm15 =	vlt.f32 v43, v1;
	v2 =	vadd.s32 v3, v2;
	v3 =	vsel vm14, $0x1, v0  }
0xdd: {  	s22 =	sadd.s32 $0x1, s22;
	v1 =	vadd.s32 v3, v2;
	v2 =	vsel vm15, $0x1, v0  }
0xde: {  	p0 =	sne.s32 s22, s10;
	v1 =	vadd.s32 v2, v1  }
.Ltmp3:
0xdf: {  	[tilespmem:$0x10100] =	vst v1;
	(pc) =	sbr.rel @p0 .LBB2_1-.Ltmp3, $4  }
0xe0: {  	[hbm4b:s9+s4] =	stream.linear.scatter [tilespmem:s21], [sflag:$0x5], $0x80, $0x38;
	[tilespmem:$0x10180] =	vst v63  }
0xe1: {  	_ =	swait.ge [sflag:s12], $0x80  }
0xe2: {  	[sflag:s12] =	ssyncset.done $0x0  }
0xe3: {  	[sflag:s12] =	ssyncadd.s32 $0xFFFFFF80  }
0xe4: {  	_ =	sfence.sel $0x180000  }
0xe5: {  	[bflag:$0x0] =	sbarrier.arrive $0xFFFF  }
0xe6: {  	p0 =	sne.s32 s2, $0x0;
	_ =	strace $0x90000047  }
0xe7: {  	s0 =	sadd.s32 @!p0 $0x100000, s0;
	[bflag:$0x2] =	sbarrier.arrive $0xFFFF  }
0xe8: {  	[sflag:s0] =	ssyncadd.tile.s32 @!p0 $0x1;
	_ =	shalt  }
.Lfunc_end2:
_tile_overlayer_lowered:
.L_overlay_start_2:
0xe9: {  	(tag) =	ssettag $0x2  }
0xea: {  	s0 =	rddreg [dreg:$0x0];
	s2 =	stileid.u32  }
0xeb: {  	s1 =	rddreg [dreg:$0x1];
	p0 =	sne.s32 s2, $0x0  }
0xec: {  	s3 =	rddreg [dreg:$0x2];
	[bflag:$0x3] =	sbarrier.arrive $0xFFFF;
	s2 =	simm.s32 @!p0 $0x1C05  }
0xed: {  	[timem:s3], [sflag:s2] =	dma.local @!p0 [hbm:s0], s1  }
0xee: {  	s0 =	simm.s32 @!p0 $0x5  }
0xef: {  	_ =	swait.ge @!p0 [sflag:s0], s1  }
0xf0: {  	s1 =	ssub.s32 @!p0 $0x0, s1;
	[sflag:s0] =	ssyncset.done @!p0 $0x0  }
0xf1: {  	[sflag:s0] =	ssyncadd.s32 @!p0 s1  }
0xf2: {  	[bflag:$0x3] =	sbarrier.arrive $0xFFFF  }
0xf3: {  	_ =	shalt  }

</sc_bundles>
